<compile_context>
chip_gen: v7x
topology: tpu7x:2x2x1
jax: 0.10.2.dev20260603
libtpu: 0.0.44.dev20260713+nightly
codegen_flags: <defaults>
</compile_context>

<pallas_src>
import functools

import jax
import jax.numpy as jnp
from jax import lax
from jax.experimental import pallas as pl
from jax.experimental.pallas import tpu as pltpu
from jax.experimental.pallas import tpu_sc as plsc

VOCAB = 30000
HIDDEN = 768
BATCH = 4
SEQ = 4096
TOTAL = BATCH * SEQ

_info = plsc.get_sparse_core_info()
NC, NS = _info.num_cores, _info.num_subcores
NW = NC * NS
ROWS_PER_W = TOTAL // NW
W_PER_B = SEQ // ROWS_PER_W
CHUNK = 32
NCHUNK = ROWS_PER_W // CHUNK
NBUF = 4
NGROUP = NCHUNK // NBUF

_mesh = plsc.VectorSubcoreMesh(core_axis_name="c", subcore_axis_name="s")


@functools.partial(
    pl.kernel,
    mesh=_mesh,
    out_type=jax.ShapeDtypeStruct((BATCH, SEQ, HIDDEN), jnp.float32),
    scratch_types=[
        pltpu.VMEM((ROWS_PER_W,), jnp.int32),
        pltpu.VMEM((NBUF, CHUNK, HIDDEN), jnp.float32),
        pltpu.SemaphoreType.DMA((NBUF,)),
        pltpu.SemaphoreType.DMA((NBUF,)),
    ],
)
def _gather(ids_hbm, table_hbm, out_hbm, idx_v, rows_v, gsem, psem):
    wid = lax.axis_index("c") * NS + lax.axis_index("s")
    b = wid // W_PER_B
    s_off = (wid % W_PER_B) * ROWS_PER_W
    pltpu.sync_copy(ids_hbm.at[b, pl.ds(s_off, ROWS_PER_W)], idx_v)

    def g_copy(c, buf):
        return pltpu.make_async_copy(
            table_hbm.at[idx_v.at[pl.ds(c * CHUNK, CHUNK)]], rows_v.at[buf],
            gsem.at[buf])

    def p_copy(c, buf):
        return pltpu.make_async_copy(
            rows_v.at[buf], out_hbm.at[b, pl.ds(s_off + c * CHUNK, CHUNK)],
            psem.at[buf])

    for buf in range(NBUF):
        g_copy(buf, buf).start()

    def group_body(g, carry):
        for buf in range(NBUF):
            c = g * NBUF + buf
            g_copy(c, buf).wait()
            p_copy(c, buf).start()
            p_copy(c, buf).wait()
            g_copy(c + NBUF, buf).start()
        return carry

    lax.fori_loop(0, NGROUP - 1, group_body, 0)
    for buf in range(NBUF):
        c = (NGROUP - 1) * NBUF + buf
        g_copy(c, buf).wait()
        p_copy(c, buf).start()
        p_copy(c, buf).wait()


def kernel(input_ids, table):
    return _gather(input_ids.astype(jnp.int32), table)

# --- scband reference (transcript-rebuilt; emitter-appended) ---
"""Pipeline reference for scband-mock-encoder-71073118814712 (READ-ONLY COPY).

The authoritative reference and input builder live on the scoring server;
editing this copy changes nothing except your own understanding.
"""

import jax, jax.numpy as jnp
import numpy as np

VOCAB = 30000
HIDDEN = 768
BATCH = 4
SEQ = 4096

def setup_inputs(seed: int = 0) -> dict:
    key = jax.random.key(seed)
    k1, k2 = jax.random.split(key)
    input_ids = jax.random.randint(k1, (BATCH, SEQ), 0, VOCAB, dtype=jnp.int64 if jax.config.read('jax_enable_x64') else jnp.int32)
    table = jax.random.normal(k2, (VOCAB, HIDDEN), dtype=jnp.float32)
    return {"input_ids": input_ids, "table": table}

def reference(input_ids, table):
    # MockEncoder.forward: hidden_states = self.embedding(input_ids)
    # Output.last_hidden_state == hidden_states; we return the array directly.
    hidden_states = jnp.take(table, input_ids, axis=0)
    return hidden_states

if __name__ == "__main__":
    import jax
    _d = setup_inputs()
    print(jax.jit(kernel)(*tuple(_d.values())))

</pallas_src>

<mosaic_0001>
#map = affine_map<(d0, d1) -> (0, 0)>
#map1 = affine_map<(d0, d1) -> (0, 0, 0)>
module attributes {stable_mosaic.version = 14 : i64} {
  func.func @_gather(%arg0: i32, %arg1: i32, %arg2: memref<4x4096xi32, #tpu.memory_space<hbm>>, %arg3: memref<30000x768xf32, #tpu.memory_space<hbm>>, %arg4: memref<4x4096x768xf32, #tpu.memory_space<hbm>>, %arg5: memref<512xi32, #tpu.memory_space<vmem>>, %arg6: memref<4x32x768xf32, #tpu.memory_space<vmem>>, %arg7: memref<4x!tpu.dma_semaphore, #tpu.memory_space<semaphore_mem>>, %arg8: memref<4x!tpu.dma_semaphore, #tpu.memory_space<semaphore_mem>>) attributes {dimension_semantics = [#tpu.dimension_semantics<core_parallel>, #tpu.dimension_semantics<subcore_parallel>], iteration_bounds = array<i64: 2, 16>, scalar_prefetch = 0 : i64, scratch_operands = 4 : i64, tpu.core_type = #tpu.core_type<sc_vector_subcore>, window_params = [{transform_indices = #map}, {transform_indices = #map}, {transform_indices = #map1}]} {
    %mul3A = arith.constant 16 : i32
    %mul3A_0 = arith.muli %arg0, %mul3A : i32
    %add3A = arith.addi %mul3A_0, %arg1 : i32
    %jit3A = arith.constant 8 : i32
    %div3A = arith.divsi %add3A, %jit3A : i32
    %sign3A = arith.constant 0 : i32
    %sign3A_1 = arith.cmpi sgt, %add3A, %sign3A : i32
    %sign3A_2 = arith.extui %sign3A_1 : i1 to i32
    %sign3A_3 = arith.constant 0 : i32
    %sign3A_4 = arith.cmpi slt, %add3A, %sign3A_3 : i32
    %sign3A_5 = arith.extui %sign3A_4 : i1 to i32
    %sign3A_6 = arith.subi %sign3A_2, %sign3A_5 : i32
    %sign3A_7 = arith.constant 0 : i32
    %sign3A_8 = arith.cmpi sgt, %jit3A, %sign3A_7 : i32
    %sign3A_9 = arith.extui %sign3A_8 : i1 to i32
    %sign3A_10 = arith.constant 0 : i32
    %sign3A_11 = arith.cmpi slt, %jit3A, %sign3A_10 : i32
    %sign3A_12 = arith.extui %sign3A_11 : i1 to i32
    %sign3A_13 = arith.subi %sign3A_9, %sign3A_12 : i32
    %ne3A = arith.cmpi ne, %sign3A_6, %sign3A_13 : i32
    %rem3A = arith.remsi %add3A, %jit3A : i32
    %ne3A_14 = arith.constant 0 : i32
    %ne3A_15 = arith.cmpi ne, %rem3A, %ne3A_14 : i32
    %and3A = arith.andi %ne3A, %ne3A_15 : i1
    %sub3A = arith.constant 1 : i32
    %sub3A_16 = arith.subi %div3A, %sub3A : i32
    %select_n3A = arith.select %and3A, %sub3A_16, %div3A : i32
    %jit3A_17 = arith.constant 8 : i32
    %eq3A = arith.constant 0 : i32
    %eq3A_18 = arith.cmpi eq, %jit3A_17, %eq3A : i32
    %jit3A_19 = arith.constant 1 : i32
    %select_n3A_20 = arith.select %eq3A_18, %jit3A_19, %jit3A_17 : i32
    %rem3A_21 = arith.remsi %add3A, %select_n3A_20 : i32
    %ne3A_22 = arith.constant 0 : i32
    %ne3A_23 = arith.cmpi ne, %rem3A_21, %ne3A_22 : i32
    %lt3A = arith.constant 0 : i32
    %lt3A_24 = arith.cmpi slt, %rem3A_21, %lt3A : i32
    %lt3A_25 = arith.constant 0 : i32
    %lt3A_26 = arith.cmpi slt, %select_n3A_20, %lt3A_25 : i32
    %ne3A_27 = arith.xori %lt3A_24, %lt3A_26 : i1
    %and3A_28 = arith.andi %ne3A_27, %ne3A_23 : i1
    %add3A_29 = arith.addi %rem3A_21, %select_n3A_20 : i32
    %select_n3A_30 = arith.select %and3A_28, %add3A_29, %rem3A_21 : i32
    %mul3A_31 = arith.constant 512 : i32
    %mul3A_32 = arith.muli %select_n3A_30, %mul3A_31 : i32
    "tpu.region"() ({
      %run_scoped3A = tpu.sem_alloc : memref<!tpu.dma_semaphore, #tpu.memory_space<semaphore_mem>>
      %dma_start3A_300 = tpu.memref_slice %arg2[%select_n3A, %mul3A_32] : memref<4x4096xi32, #tpu.memory_space<hbm>> -> memref<1x512xi32, #tpu.memory_space<hbm>>
      %dma_start3A_301 = tpu.memref_squeeze %dma_start3A_300 : memref<1x512xi32, #tpu.memory_space<hbm>> -> memref<512xi32, #tpu.memory_space<hbm>>
      %dma_start3A_302 = tpu.memref_slice %arg2[%select_n3A, %mul3A_32] : memref<4x4096xi32, #tpu.memory_space<hbm>> -> memref<1x512xi32, #tpu.memory_space<hbm>>
      %dma_start3A_303 = tpu.memref_squeeze %dma_start3A_302 : memref<1x512xi32, #tpu.memory_space<hbm>> -> memref<512xi32, #tpu.memory_space<hbm>>
      tpu.enqueue_dma source(%dma_start3A_303 : memref<512xi32, #tpu.memory_space<hbm>>) target(%arg5 : memref<512xi32, #tpu.memory_space<vmem>>) target_semaphore(%run_scoped3A : memref<!tpu.dma_semaphore, #tpu.memory_space<semaphore_mem>>)
      %dma_wait3A_304 = tpu.memref_slice %arg2[%select_n3A, %mul3A_32] : memref<4x4096xi32, #tpu.memory_space<hbm>> -> memref<1x512xi32, #tpu.memory_space<hbm>>
      %dma_wait3A_305 = tpu.memref_squeeze %dma_wait3A_304 : memref<1x512xi32, #tpu.memory_space<hbm>> -> memref<512xi32, #tpu.memory_space<hbm>>
      %dma_wait3A_306 = tpu.memref_slice %arg2[%select_n3A, %mul3A_32] : memref<4x4096xi32, #tpu.memory_space<hbm>> -> memref<1x512xi32, #tpu.memory_space<hbm>>
      %dma_wait3A_307 = tpu.memref_squeeze %dma_wait3A_306 : memref<1x512xi32, #tpu.memory_space<hbm>> -> memref<512xi32, #tpu.memory_space<hbm>>
      tpu.wait_dma2 semaphore(%run_scoped3A : memref<!tpu.dma_semaphore, #tpu.memory_space<semaphore_mem>>) src(%dma_wait3A_307 : memref<512xi32, #tpu.memory_space<hbm>>) dst(%arg5 : memref<512xi32, #tpu.memory_space<vmem>>)
      tpu.yield
    }) : () -> ()
    %dma_start3A = arith.constant 0 : i32
    %dma_start3A_33 = arith.constant 0 : i32
    %dma_start3A_34 = arith.constant 0 : i32
    %dma_start3A_35 = arith.constant 0 : i32
    %dma_start3A_36 = tpu.memref_slice %arg6[%dma_start3A, %dma_start3A_34, %dma_start3A_35] : memref<4x32x768xf32, #tpu.memory_space<vmem>> -> memref<1x32x768xf32, #tpu.memory_space<vmem>>
    %dma_start3A_37 = tpu.memref_squeeze %dma_start3A_36 : memref<1x32x768xf32, #tpu.memory_space<vmem>> -> memref<32x768xf32, #tpu.memory_space<vmem>>
    %dma_start3A_38 = arith.constant 0 : i32
    %dma_start3A_39 = tpu.memref_slice %arg5[%dma_start3A_38] : memref<512xi32, #tpu.memory_space<vmem>> -> memref<32xi32, #tpu.memory_space<vmem>>
    %dma_start3A_40 = arith.constant 0 : i32
    %dma_start3A_41 = arith.constant 0 : i32
    %dma_start3A_42 = tpu.memref_slice %arg3[%dma_start3A_40, %dma_start3A_41] : memref<30000x768xf32, #tpu.memory_space<hbm>> -> memref<30000x768xf32, #tpu.memory_space<hbm>>
    %dma_start3A_43 = tpu.memref_slice %arg7[%dma_start3A_33] : memref<4x!tpu.dma_semaphore, #tpu.memory_space<semaphore_mem>> -> memref<1x!tpu.dma_semaphore, #tpu.memory_space<semaphore_mem>>
    %dma_start3A_44 = tpu.memref_squeeze %dma_start3A_43 : memref<1x!tpu.dma_semaphore, #tpu.memory_space<semaphore_mem>> -> memref<!tpu.dma_semaphore, #tpu.memory_space<semaphore_mem>>
    tpu.enqueue_indirect_dma source(%dma_start3A_42 : memref<30000x768xf32, #tpu.memory_space<hbm>>) target(%dma_start3A_37 : memref<32x768xf32, #tpu.memory_space<vmem>>) offsets(%dma_start3A_39 : memref<32xi32, #tpu.memory_space<vmem>>) semaphore(%dma_start3A_44 : memref<!tpu.dma_semaphore, #tpu.memory_space<semaphore_mem>>)
    %dma_start3A_45 = arith.constant 1 : i32
    %dma_start3A_46 = arith.constant 1 : i32
    %dma_start3A_47 = arith.constant 0 : i32
    %dma_start3A_48 = arith.constant 0 : i32
    %dma_start3A_49 = tpu.memref_slice %arg6[%dma_start3A_45, %dma_start3A_47, %dma_start3A_48] : memref<4x32x768xf32, #tpu.memory_space<vmem>> -> memref<1x32x768xf32, #tpu.memory_space<vmem>>
    %dma_start3A_50 = tpu.memref_squeeze %dma_start3A_49 : memref<1x32x768xf32, #tpu.memory_space<vmem>> -> memref<32x768xf32, #tpu.memory_space<vmem>>
    %dma_start3A_51 = arith.constant 32 : i32
    %dma_start3A_52 = tpu.memref_slice %arg5[%dma_start3A_51] : memref<512xi32, #tpu.memory_space<vmem>> -> memref<32xi32, #tpu.memory_space<vmem>>
    %dma_start3A_53 = arith.constant 0 : i32
    %dma_start3A_54 = arith.constant 0 : i32
    %dma_start3A_55 = tpu.memref_slice %arg3[%dma_start3A_53, %dma_start3A_54] : memref<30000x768xf32, #tpu.memory_space<hbm>> -> memref<30000x768xf32, #tpu.memory_space<hbm>>
    %dma_start3A_56 = tpu.memref_slice %arg7[%dma_start3A_46] : memref<4x!tpu.dma_semaphore, #tpu.memory_space<semaphore_mem>> -> memref<1x!tpu.dma_semaphore, #tpu.memory_space<semaphore_mem>>
    %dma_start3A_57 = tpu.memref_squeeze %dma_start3A_56 : memref<1x!tpu.dma_semaphore, #tpu.memory_space<semaphore_mem>> -> memref<!tpu.dma_semaphore, #tpu.memory_space<semaphore_mem>>
    tpu.enqueue_indirect_dma source(%dma_start3A_55 : memref<30000x768xf32, #tpu.memory_space<hbm>>) target(%dma_start3A_50 : memref<32x768xf32, #tpu.memory_space<vmem>>) offsets(%dma_start3A_52 : memref<32xi32, #tpu.memory_space<vmem>>) semaphore(%dma_start3A_57 : memref<!tpu.dma_semaphore, #tpu.memory_space<semaphore_mem>>)
    %dma_start3A_58 = arith.constant 2 : i32
    %dma_start3A_59 = arith.constant 2 : i32
    %dma_start3A_60 = arith.constant 0 : i32
    %dma_start3A_61 = arith.constant 0 : i32
    %dma_start3A_62 = tpu.memref_slice %arg6[%dma_start3A_58, %dma_start3A_60, %dma_start3A_61] : memref<4x32x768xf32, #tpu.memory_space<vmem>> -> memref<1x32x768xf32, #tpu.memory_space<vmem>>
    %dma_start3A_63 = tpu.memref_squeeze %dma_start3A_62 : memref<1x32x768xf32, #tpu.memory_space<vmem>> -> memref<32x768xf32, #tpu.memory_space<vmem>>
    %dma_start3A_64 = arith.constant 64 : i32
    %dma_start3A_65 = tpu.memref_slice %arg5[%dma_start3A_64] : memref<512xi32, #tpu.memory_space<vmem>> -> memref<32xi32, #tpu.memory_space<vmem>>
    %dma_start3A_66 = arith.constant 0 : i32
    %dma_start3A_67 = arith.constant 0 : i32
    %dma_start3A_68 = tpu.memref_slice %arg3[%dma_start3A_66, %dma_start3A_67] : memref<30000x768xf32, #tpu.memory_space<hbm>> -> memref<30000x768xf32, #tpu.memory_space<hbm>>
    %dma_start3A_69 = tpu.memref_slice %arg7[%dma_start3A_59] : memref<4x!tpu.dma_semaphore, #tpu.memory_space<semaphore_mem>> -> memref<1x!tpu.dma_semaphore, #tpu.memory_space<semaphore_mem>>
    %dma_start3A_70 = tpu.memref_squeeze %dma_start3A_69 : memref<1x!tpu.dma_semaphore, #tpu.memory_space<semaphore_mem>> -> memref<!tpu.dma_semaphore, #tpu.memory_space<semaphore_mem>>
    tpu.enqueue_indirect_dma source(%dma_start3A_68 : memref<30000x768xf32, #tpu.memory_space<hbm>>) target(%dma_start3A_63 : memref<32x768xf32, #tpu.memory_space<vmem>>) offsets(%dma_start3A_65 : memref<32xi32, #tpu.memory_space<vmem>>) semaphore(%dma_start3A_70 : memref<!tpu.dma_semaphore, #tpu.memory_space<semaphore_mem>>)
    %dma_start3A_71 = arith.constant 3 : i32
    %dma_start3A_72 = arith.constant 3 : i32
    %dma_start3A_73 = arith.constant 0 : i32
    %dma_start3A_74 = arith.constant 0 : i32
    %dma_start3A_75 = tpu.memref_slice %arg6[%dma_start3A_71, %dma_start3A_73, %dma_start3A_74] : memref<4x32x768xf32, #tpu.memory_space<vmem>> -> memref<1x32x768xf32, #tpu.memory_space<vmem>>
    %dma_start3A_76 = tpu.memref_squeeze %dma_start3A_75 : memref<1x32x768xf32, #tpu.memory_space<vmem>> -> memref<32x768xf32, #tpu.memory_space<vmem>>
    %dma_start3A_77 = arith.constant 96 : i32
    %dma_start3A_78 = tpu.memref_slice %arg5[%dma_start3A_77] : memref<512xi32, #tpu.memory_space<vmem>> -> memref<32xi32, #tpu.memory_space<vmem>>
    %dma_start3A_79 = arith.constant 0 : i32
    %dma_start3A_80 = arith.constant 0 : i32
    %dma_start3A_81 = tpu.memref_slice %arg3[%dma_start3A_79, %dma_start3A_80] : memref<30000x768xf32, #tpu.memory_space<hbm>> -> memref<30000x768xf32, #tpu.memory_space<hbm>>
    %dma_start3A_82 = tpu.memref_slice %arg7[%dma_start3A_72] : memref<4x!tpu.dma_semaphore, #tpu.memory_space<semaphore_mem>> -> memref<1x!tpu.dma_semaphore, #tpu.memory_space<semaphore_mem>>
    %dma_start3A_83 = tpu.memref_squeeze %dma_start3A_82 : memref<1x!tpu.dma_semaphore, #tpu.memory_space<semaphore_mem>> -> memref<!tpu.dma_semaphore, #tpu.memory_space<semaphore_mem>>
    tpu.enqueue_indirect_dma source(%dma_start3A_81 : memref<30000x768xf32, #tpu.memory_space<hbm>>) target(%dma_start3A_76 : memref<32x768xf32, #tpu.memory_space<vmem>>) offsets(%dma_start3A_78 : memref<32xi32, #tpu.memory_space<vmem>>) semaphore(%dma_start3A_83 : memref<!tpu.dma_semaphore, #tpu.memory_space<semaphore_mem>>)
    %scan3A = arith.constant 0 : i32
    %scan3A_84 = arith.constant 0 : i32
    %scan3A_85 = arith.constant 3 : i32
    %scan3A_86 = arith.addi %scan3A_84, %scan3A_85 : i32
    %scan3A_87 = arith.constant 1 : i32
    scf.for %scan3A_300 = %scan3A_84 to %scan3A_86 step %scan3A_87  : i32 {
      %mul3A_301 = arith.constant 4 : i32
      %mul3A_302 = arith.muli %scan3A_300, %mul3A_301 : i32
      %add3A_303 = arith.constant 0 : i32
      %add3A_304 = arith.addi %mul3A_302, %add3A_303 : i32
      %mul3A_305 = arith.constant 32 : i32
      %mul3A_306 = arith.muli %add3A_304, %mul3A_305 : i32
      %dma_wait3A_307 = arith.constant 0 : i32
      %dma_wait3A_308 = arith.constant 0 : i32
      %dma_wait3A_309 = arith.constant 0 : i32
      %dma_wait3A_310 = arith.constant 0 : i32
      %dma_wait3A_311 = tpu.memref_slice %arg6[%dma_wait3A_307, %dma_wait3A_309, %dma_wait3A_310] : memref<4x32x768xf32, #tpu.memory_space<vmem>> -> memref<1x32x768xf32, #tpu.memory_space<vmem>>
      %dma_wait3A_312 = tpu.memref_squeeze %dma_wait3A_311 : memref<1x32x768xf32, #tpu.memory_space<vmem>> -> memref<32x768xf32, #tpu.memory_space<vmem>>
      %dma_wait3A_313 = tpu.memref_slice %arg5[%mul3A_306] : memref<512xi32, #tpu.memory_space<vmem>> -> memref<32xi32, #tpu.memory_space<vmem>>
      %dma_wait3A_314 = arith.constant 0 : i32
      %dma_wait3A_315 = arith.constant 0 : i32
      %dma_wait3A_316 = tpu.memref_slice %arg3[%dma_wait3A_314, %dma_wait3A_315] : memref<30000x768xf32, #tpu.memory_space<hbm>> -> memref<30000x768xf32, #tpu.memory_space<hbm>>
      %dma_wait3A_317 = tpu.memref_slice %arg7[%dma_wait3A_308] : memref<4x!tpu.dma_semaphore, #tpu.memory_space<semaphore_mem>> -> memref<1x!tpu.dma_semaphore, #tpu.memory_space<semaphore_mem>>
      %dma_wait3A_318 = tpu.memref_squeeze %dma_wait3A_317 : memref<1x!tpu.dma_semaphore, #tpu.memory_space<semaphore_mem>> -> memref<!tpu.dma_semaphore, #tpu.memory_space<semaphore_mem>>
      tpu.wait_indirect_dma semaphore(%dma_wait3A_318 : memref<!tpu.dma_semaphore, #tpu.memory_space<semaphore_mem>>) src(%dma_wait3A_316 : memref<30000x768xf32, #tpu.memory_space<hbm>>) dst(%dma_wait3A_312 : memref<32x768xf32, #tpu.memory_space<vmem>>)
      %mul3A_319 = arith.constant 32 : i32
      %mul3A_320 = arith.muli %add3A_304, %mul3A_319 : i32
      %add3A_321 = arith.addi %mul3A_32, %mul3A_320 : i32
      %dma_start3A_322 = arith.constant 0 : i32
      %dma_start3A_323 = arith.constant 0 : i32
      %dma_start3A_324 = arith.constant 0 : i32
      %dma_start3A_325 = arith.constant 0 : i32
      %dma_start3A_326 = tpu.memref_slice %arg6[%dma_start3A_322, %dma_start3A_324, %dma_start3A_325] : memref<4x32x768xf32, #tpu.memory_space<vmem>> -> memref<1x32x768xf32, #tpu.memory_space<vmem>>
      %dma_start3A_327 = tpu.memref_squeeze %dma_start3A_326 : memref<1x32x768xf32, #tpu.memory_space<vmem>> -> memref<32x768xf32, #tpu.memory_space<vmem>>
      %dma_start3A_328 = arith.constant 0 : i32
      %dma_start3A_329 = tpu.memref_slice %arg4[%select_n3A, %add3A_321, %dma_start3A_328] : memref<4x4096x768xf32, #tpu.memory_space<hbm>> -> memref<1x32x768xf32, #tpu.memory_space<hbm>>
      %dma_start3A_330 = tpu.memref_squeeze %dma_start3A_329 : memref<1x32x768xf32, #tpu.memory_space<hbm>> -> memref<32x768xf32, #tpu.memory_space<hbm>>
      %dma_start3A_331 = tpu.memref_slice %arg8[%dma_start3A_323] : memref<4x!tpu.dma_semaphore, #tpu.memory_space<semaphore_mem>> -> memref<1x!tpu.dma_semaphore, #tpu.memory_space<semaphore_mem>>
      %dma_start3A_332 = tpu.memref_squeeze %dma_start3A_331 : memref<1x!tpu.dma_semaphore, #tpu.memory_space<semaphore_mem>> -> memref<!tpu.dma_semaphore, #tpu.memory_space<semaphore_mem>>
      %dma_start3A_333 = arith.constant 0 : i32
      %dma_start3A_334 = tpu.memref_slice %arg4[%select_n3A, %add3A_321, %dma_start3A_333] : memref<4x4096x768xf32, #tpu.memory_space<hbm>> -> memref<1x32x768xf32, #tpu.memory_space<hbm>>
      %dma_start3A_335 = tpu.memref_squeeze %dma_start3A_334 : memref<1x32x768xf32, #tpu.memory_space<hbm>> -> memref<32x768xf32, #tpu.memory_space<hbm>>
      %dma_start3A_336 = arith.constant 0 : i32
      %dma_start3A_337 = arith.constant 0 : i32
      %dma_start3A_338 = tpu.memref_slice %arg6[%dma_start3A_322, %dma_start3A_336, %dma_start3A_337] : memref<4x32x768xf32, #tpu.memory_space<vmem>> -> memref<1x32x768xf32, #tpu.memory_space<vmem>>
      %dma_start3A_339 = tpu.memref_squeeze %dma_start3A_338 : memref<1x32x768xf32, #tpu.memory_space<vmem>> -> memref<32x768xf32, #tpu.memory_space<vmem>>
      tpu.enqueue_dma source(%dma_start3A_339 : memref<32x768xf32, #tpu.memory_space<vmem>>) target(%dma_start3A_335 : memref<32x768xf32, #tpu.memory_space<hbm>>) target_semaphore(%dma_start3A_332 : memref<!tpu.dma_semaphore, #tpu.memory_space<semaphore_mem>>)
      %mul3A_340 = arith.constant 32 : i32
      %mul3A_341 = arith.muli %add3A_304, %mul3A_340 : i32
      %add3A_342 = arith.addi %mul3A_32, %mul3A_341 : i32
      %dma_wait3A_343 = arith.constant 0 : i32
      %dma_wait3A_344 = arith.constant 0 : i32
      %dma_wait3A_345 = arith.constant 0 : i32
      %dma_wait3A_346 = arith.constant 0 : i32
      %dma_wait3A_347 = tpu.memref_slice %arg6[%dma_wait3A_343, %dma_wait3A_345, %dma_wait3A_346] : memref<4x32x768xf32, #tpu.memory_space<vmem>> -> memref<1x32x768xf32, #tpu.memory_space<vmem>>
      %dma_wait3A_348 = tpu.memref_squeeze %dma_wait3A_347 : memref<1x32x768xf32, #tpu.memory_space<vmem>> -> memref<32x768xf32, #tpu.memory_space<vmem>>
      %dma_wait3A_349 = arith.constant 0 : i32
      %dma_wait3A_350 = tpu.memref_slice %arg4[%select_n3A, %add3A_342, %dma_wait3A_349] : memref<4x4096x768xf32, #tpu.memory_space<hbm>> -> memref<1x32x768xf32, #tpu.memory_space<hbm>>
      %dma_wait3A_351 = tpu.memref_squeeze %dma_wait3A_350 : memref<1x32x768xf32, #tpu.memory_space<hbm>> -> memref<32x768xf32, #tpu.memory_space<hbm>>
      %dma_wait3A_352 = tpu.memref_slice %arg8[%dma_wait3A_344] : memref<4x!tpu.dma_semaphore, #tpu.memory_space<semaphore_mem>> -> memref<1x!tpu.dma_semaphore, #tpu.memory_space<semaphore_mem>>
      %dma_wait3A_353 = tpu.memref_squeeze %dma_wait3A_352 : memref<1x!tpu.dma_semaphore, #tpu.memory_space<semaphore_mem>> -> memref<!tpu.dma_semaphore, #tpu.memory_space<semaphore_mem>>
      %dma_wait3A_354 = arith.constant 0 : i32
      %dma_wait3A_355 = tpu.memref_slice %arg4[%select_n3A, %add3A_342, %dma_wait3A_354] : memref<4x4096x768xf32, #tpu.memory_space<hbm>> -> memref<1x32x768xf32, #tpu.memory_space<hbm>>
      %dma_wait3A_356 = tpu.memref_squeeze %dma_wait3A_355 : memref<1x32x768xf32, #tpu.memory_space<hbm>> -> memref<32x768xf32, #tpu.memory_space<hbm>>
      %dma_wait3A_357 = arith.constant 0 : i32
      %dma_wait3A_358 = arith.constant 0 : i32
      %dma_wait3A_359 = tpu.memref_slice %arg6[%dma_wait3A_343, %dma_wait3A_357, %dma_wait3A_358] : memref<4x32x768xf32, #tpu.memory_space<vmem>> -> memref<1x32x768xf32, #tpu.memory_space<vmem>>
      %dma_wait3A_360 = tpu.memref_squeeze %dma_wait3A_359 : memref<1x32x768xf32, #tpu.memory_space<vmem>> -> memref<32x768xf32, #tpu.memory_space<vmem>>
      tpu.wait_dma2 semaphore(%dma_wait3A_353 : memref<!tpu.dma_semaphore, #tpu.memory_space<semaphore_mem>>) src(%dma_wait3A_360 : memref<32x768xf32, #tpu.memory_space<vmem>>) dst(%dma_wait3A_356 : memref<32x768xf32, #tpu.memory_space<hbm>>)
      %add3A_361 = arith.constant 4 : i32
      %add3A_362 = arith.addi %add3A_304, %add3A_361 : i32
      %mul3A_363 = arith.constant 32 : i32
      %mul3A_364 = arith.muli %add3A_362, %mul3A_363 : i32
      %dma_start3A_365 = arith.constant 0 : i32
      %dma_start3A_366 = arith.constant 0 : i32
      %dma_start3A_367 = arith.constant 0 : i32
      %dma_start3A_368 = arith.constant 0 : i32
      %dma_start3A_369 = tpu.memref_slice %arg6[%dma_start3A_365, %dma_start3A_367, %dma_start3A_368] : memref<4x32x768xf32, #tpu.memory_space<vmem>> -> memref<1x32x768xf32, #tpu.memory_space<vmem>>
      %dma_start3A_370 = tpu.memref_squeeze %dma_start3A_369 : memref<1x32x768xf32, #tpu.memory_space<vmem>> -> memref<32x768xf32, #tpu.memory_space<vmem>>
      %dma_start3A_371 = tpu.memref_slice %arg5[%mul3A_364] : memref<512xi32, #tpu.memory_space<vmem>> -> memref<32xi32, #tpu.memory_space<vmem>>
      %dma_start3A_372 = arith.constant 0 : i32
      %dma_start3A_373 = arith.constant 0 : i32
      %dma_start3A_374 = tpu.memref_slice %arg3[%dma_start3A_372, %dma_start3A_373] : memref<30000x768xf32, #tpu.memory_space<hbm>> -> memref<30000x768xf32, #tpu.memory_space<hbm>>
      %dma_start3A_375 = tpu.memref_slice %arg7[%dma_start3A_366] : memref<4x!tpu.dma_semaphore, #tpu.memory_space<semaphore_mem>> -> memref<1x!tpu.dma_semaphore, #tpu.memory_space<semaphore_mem>>
      %dma_start3A_376 = tpu.memref_squeeze %dma_start3A_375 : memref<1x!tpu.dma_semaphore, #tpu.memory_space<semaphore_mem>> -> memref<!tpu.dma_semaphore, #tpu.memory_space<semaphore_mem>>
      tpu.enqueue_indirect_dma source(%dma_start3A_374 : memref<30000x768xf32, #tpu.memory_space<hbm>>) target(%dma_start3A_370 : memref<32x768xf32, #tpu.memory_space<vmem>>) offsets(%dma_start3A_371 : memref<32xi32, #tpu.memory_space<vmem>>) semaphore(%dma_start3A_376 : memref<!tpu.dma_semaphore, #tpu.memory_space<semaphore_mem>>)
      %mul3A_377 = arith.constant 4 : i32
      %mul3A_378 = arith.muli %scan3A_300, %mul3A_377 : i32
      %add3A_379 = arith.constant 1 : i32
      %add3A_380 = arith.addi %mul3A_378, %add3A_379 : i32
      %mul3A_381 = arith.constant 32 : i32
      %mul3A_382 = arith.muli %add3A_380, %mul3A_381 : i32
      %dma_wait3A_383 = arith.constant 1 : i32
      %dma_wait3A_384 = arith.constant 1 : i32
      %dma_wait3A_385 = arith.constant 0 : i32
      %dma_wait3A_386 = arith.constant 0 : i32
      %dma_wait3A_387 = tpu.memref_slice %arg6[%dma_wait3A_383, %dma_wait3A_385, %dma_wait3A_386] : memref<4x32x768xf32, #tpu.memory_space<vmem>> -> memref<1x32x768xf32, #tpu.memory_space<vmem>>
      %dma_wait3A_388 = tpu.memref_squeeze %dma_wait3A_387 : memref<1x32x768xf32, #tpu.memory_space<vmem>> -> memref<32x768xf32, #tpu.memory_space<vmem>>
      %dma_wait3A_389 = tpu.memref_slice %arg5[%mul3A_382] : memref<512xi32, #tpu.memory_space<vmem>> -> memref<32xi32, #tpu.memory_space<vmem>>
      %dma_wait3A_390 = arith.constant 0 : i32
      %dma_wait3A_391 = arith.constant 0 : i32
      %dma_wait3A_392 = tpu.memref_slice %arg3[%dma_wait3A_390, %dma_wait3A_391] : memref<30000x768xf32, #tpu.memory_space<hbm>> -> memref<30000x768xf32, #tpu.memory_space<hbm>>
      %dma_wait3A_393 = tpu.memref_slice %arg7[%dma_wait3A_384] : memref<4x!tpu.dma_semaphore, #tpu.memory_space<semaphore_mem>> -> memref<1x!tpu.dma_semaphore, #tpu.memory_space<semaphore_mem>>
      %dma_wait3A_394 = tpu.memref_squeeze %dma_wait3A_393 : memref<1x!tpu.dma_semaphore, #tpu.memory_space<semaphore_mem>> -> memref<!tpu.dma_semaphore, #tpu.memory_space<semaphore_mem>>
      tpu.wait_indirect_dma semaphore(%dma_wait3A_394 : memref<!tpu.dma_semaphore, #tpu.memory_space<semaphore_mem>>) src(%dma_wait3A_392 : memref<30000x768xf32, #tpu.memory_space<hbm>>) dst(%dma_wait3A_388 : memref<32x768xf32, #tpu.memory_space<vmem>>)
      %mul3A_395 = arith.constant 32 : i32
      %mul3A_396 = arith.muli %add3A_380, %mul3A_395 : i32
      %add3A_397 = arith.addi %mul3A_32, %mul3A_396 : i32
      %dma_start3A_398 = arith.constant 1 : i32
      %dma_start3A_399 = arith.constant 1 : i32
      %dma_start3A_400 = arith.constant 0 : i32
      %dma_start3A_401 = arith.constant 0 : i32
      %dma_start3A_402 = tpu.memref_slice %arg6[%dma_start3A_398, %dma_start3A_400, %dma_start3A_401] : memref<4x32x768xf32, #tpu.memory_space<vmem>> -> memref<1x32x768xf32, #tpu.memory_space<vmem>>
      %dma_start3A_403 = tpu.memref_squeeze %dma_start3A_402 : memref<1x32x768xf32, #tpu.memory_space<vmem>> -> memref<32x768xf32, #tpu.memory_space<vmem>>
      %dma_start3A_404 = arith.constant 0 : i32
      %dma_start3A_405 = tpu.memref_slice %arg4[%select_n3A, %add3A_397, %dma_start3A_404] : memref<4x4096x768xf32, #tpu.memory_space<hbm>> -> memref<1x32x768xf32, #tpu.memory_space<hbm>>
      %dma_start3A_406 = tpu.memref_squeeze %dma_start3A_405 : memref<1x32x768xf32, #tpu.memory_space<hbm>> -> memref<32x768xf32, #tpu.memory_space<hbm>>
      %dma_start3A_407 = tpu.memref_slice %arg8[%dma_start3A_399] : memref<4x!tpu.dma_semaphore, #tpu.memory_space<semaphore_mem>> -> memref<1x!tpu.dma_semaphore, #tpu.memory_space<semaphore_mem>>
      %dma_start3A_408 = tpu.memref_squeeze %dma_start3A_407 : memref<1x!tpu.dma_semaphore, #tpu.memory_space<semaphore_mem>> -> memref<!tpu.dma_semaphore, #tpu.memory_space<semaphore_mem>>
      %dma_start3A_409 = arith.constant 0 : i32
      %dma_start3A_410 = tpu.memref_slice %arg4[%select_n3A, %add3A_397, %dma_start3A_409] : memref<4x4096x768xf32, #tpu.memory_space<hbm>> -> memref<1x32x768xf32, #tpu.memory_space<hbm>>
      %dma_start3A_411 = tpu.memref_squeeze %dma_start3A_410 : memref<1x32x768xf32, #tpu.memory_space<hbm>> -> memref<32x768xf32, #tpu.memory_space<hbm>>
      %dma_start3A_412 = arith.constant 0 : i32
      %dma_start3A_413 = arith.constant 0 : i32
      %dma_start3A_414 = tpu.memref_slice %arg6[%dma_start3A_398, %dma_start3A_412, %dma_start3A_413] : memref<4x32x768xf32, #tpu.memory_space<vmem>> -> memref<1x32x768xf32, #tpu.memory_space<vmem>>
      %dma_start3A_415 = tpu.memref_squeeze %dma_start3A_414 : memref<1x32x768xf32, #tpu.memory_space<vmem>> -> memref<32x768xf32, #tpu.memory_space<vmem>>
      tpu.enqueue_dma source(%dma_start3A_415 : memref<32x768xf32, #tpu.memory_space<vmem>>) target(%dma_start3A_411 : memref<32x768xf32, #tpu.memory_space<hbm>>) target_semaphore(%dma_start3A_408 : memref<!tpu.dma_semaphore, #tpu.memory_space<semaphore_mem>>)
      %mul3A_416 = arith.constant 32 : i32
      %mul3A_417 = arith.muli %add3A_380, %mul3A_416 : i32
      %add3A_418 = arith.addi %mul3A_32, %mul3A_417 : i32
      %dma_wait3A_419 = arith.constant 1 : i32
      %dma_wait3A_420 = arith.constant 1 : i32
      %dma_wait3A_421 = arith.constant 0 : i32
      %dma_wait3A_422 = arith.constant 0 : i32
      %dma_wait3A_423 = tpu.memref_slice %arg6[%dma_wait3A_419, %dma_wait3A_421, %dma_wait3A_422] : memref<4x32x768xf32, #tpu.memory_space<vmem>> -> memref<1x32x768xf32, #tpu.memory_space<vmem>>
      %dma_wait3A_424 = tpu.memref_squeeze %dma_wait3A_423 : memref<1x32x768xf32, #tpu.memory_space<vmem>> -> memref<32x768xf32, #tpu.memory_space<vmem>>
      %dma_wait3A_425 = arith.constant 0 : i32
      %dma_wait3A_426 = tpu.memref_slice %arg4[%select_n3A, %add3A_418, %dma_wait3A_425] : memref<4x4096x768xf32, #tpu.memory_space<hbm>> -> memref<1x32x768xf32, #tpu.memory_space<hbm>>
      %dma_wait3A_427 = tpu.memref_squeeze %dma_wait3A_426 : memref<1x32x768xf32, #tpu.memory_space<hbm>> -> memref<32x768xf32, #tpu.memory_space<hbm>>
      %dma_wait3A_428 = tpu.memref_slice %arg8[%dma_wait3A_420] : memref<4x!tpu.dma_semaphore, #tpu.memory_space<semaphore_mem>> -> memref<1x!tpu.dma_semaphore, #tpu.memory_space<semaphore_mem>>
      %dma_wait3A_429 = tpu.memref_squeeze %dma_wait3A_428 : memref<1x!tpu.dma_semaphore, #tpu.memory_space<semaphore_mem>> -> memref<!tpu.dma_semaphore, #tpu.memory_space<semaphore_mem>>
      %dma_wait3A_430 = arith.constant 0 : i32
      %dma_wait3A_431 = tpu.memref_slice %arg4[%select_n3A, %add3A_418, %dma_wait3A_430] : memref<4x4096x768xf32, #tpu.memory_space<hbm>> -> memref<1x32x768xf32, #tpu.memory_space<hbm>>
      %dma_wait3A_432 = tpu.memref_squeeze %dma_wait3A_431 : memref<1x32x768xf32, #tpu.memory_space<hbm>> -> memref<32x768xf32, #tpu.memory_space<hbm>>
      %dma_wait3A_433 = arith.constant 0 : i32
      %dma_wait3A_434 = arith.constant 0 : i32
      %dma_wait3A_435 = tpu.memref_slice %arg6[%dma_wait3A_419, %dma_wait3A_433, %dma_wait3A_434] : memref<4x32x768xf32, #tpu.memory_space<vmem>> -> memref<1x32x768xf32, #tpu.memory_space<vmem>>
      %dma_wait3A_436 = tpu.memref_squeeze %dma_wait3A_435 : memref<1x32x768xf32, #tpu.memory_space<vmem>> -> memref<32x768xf32, #tpu.memory_space<vmem>>
      tpu.wait_dma2 semaphore(%dma_wait3A_429 : memref<!tpu.dma_semaphore, #tpu.memory_space<semaphore_mem>>) src(%dma_wait3A_436 : memref<32x768xf32, #tpu.memory_space<vmem>>) dst(%dma_wait3A_432 : memref<32x768xf32, #tpu.memory_space<hbm>>)
      %add3A_437 = arith.constant 4 : i32
      %add3A_438 = arith.addi %add3A_380, %add3A_437 : i32
      %mul3A_439 = arith.constant 32 : i32
      %mul3A_440 = arith.muli %add3A_438, %mul3A_439 : i32
      %dma_start3A_441 = arith.constant 1 : i32
      %dma_start3A_442 = arith.constant 1 : i32
      %dma_start3A_443 = arith.constant 0 : i32
      %dma_start3A_444 = arith.constant 0 : i32
      %dma_start3A_445 = tpu.memref_slice %arg6[%dma_start3A_441, %dma_start3A_443, %dma_start3A_444] : memref<4x32x768xf32, #tpu.memory_space<vmem>> -> memref<1x32x768xf32, #tpu.memory_space<vmem>>
      %dma_start3A_446 = tpu.memref_squeeze %dma_start3A_445 : memref<1x32x768xf32, #tpu.memory_space<vmem>> -> memref<32x768xf32, #tpu.memory_space<vmem>>
      %dma_start3A_447 = tpu.memref_slice %arg5[%mul3A_440] : memref<512xi32, #tpu.memory_space<vmem>> -> memref<32xi32, #tpu.memory_space<vmem>>
      %dma_start3A_448 = arith.constant 0 : i32
      %dma_start3A_449 = arith.constant 0 : i32
      %dma_start3A_450 = tpu.memref_slice %arg3[%dma_start3A_448, %dma_start3A_449] : memref<30000x768xf32, #tpu.memory_space<hbm>> -> memref<30000x768xf32, #tpu.memory_space<hbm>>
      %dma_start3A_451 = tpu.memref_slice %arg7[%dma_start3A_442] : memref<4x!tpu.dma_semaphore, #tpu.memory_space<semaphore_mem>> -> memref<1x!tpu.dma_semaphore, #tpu.memory_space<semaphore_mem>>
      %dma_start3A_452 = tpu.memref_squeeze %dma_start3A_451 : memref<1x!tpu.dma_semaphore, #tpu.memory_space<semaphore_mem>> -> memref<!tpu.dma_semaphore, #tpu.memory_space<semaphore_mem>>
      tpu.enqueue_indirect_dma source(%dma_start3A_450 : memref<30000x768xf32, #tpu.memory_space<hbm>>) target(%dma_start3A_446 : memref<32x768xf32, #tpu.memory_space<vmem>>) offsets(%dma_start3A_447 : memref<32xi32, #tpu.memory_space<vmem>>) semaphore(%dma_start3A_452 : memref<!tpu.dma_semaphore, #tpu.memory_space<semaphore_mem>>)
      %mul3A_453 = arith.constant 4 : i32
      %mul3A_454 = arith.muli %scan3A_300, %mul3A_453 : i32
      %add3A_455 = arith.constant 2 : i32
      %add3A_456 = arith.addi %mul3A_454, %add3A_455 : i32
      %mul3A_457 = arith.constant 32 : i32
      %mul3A_458 = arith.muli %add3A_456, %mul3A_457 : i32
      %dma_wait3A_459 = arith.constant 2 : i32
      %dma_wait3A_460 = arith.constant 2 : i32
      %dma_wait3A_461 = arith.constant 0 : i32
      %dma_wait3A_462 = arith.constant 0 : i32
      %dma_wait3A_463 = tpu.memref_slice %arg6[%dma_wait3A_459, %dma_wait3A_461, %dma_wait3A_462] : memref<4x32x768xf32, #tpu.memory_space<vmem>> -> memref<1x32x768xf32, #tpu.memory_space<vmem>>
      %dma_wait3A_464 = tpu.memref_squeeze %dma_wait3A_463 : memref<1x32x768xf32, #tpu.memory_space<vmem>> -> memref<32x768xf32, #tpu.memory_space<vmem>>
      %dma_wait3A_465 = tpu.memref_slice %arg5[%mul3A_458] : memref<512xi32, #tpu.memory_space<vmem>> -> memref<32xi32, #tpu.memory_space<vmem>>
      %dma_wait3A_466 = arith.constant 0 : i32
      %dma_wait3A_467 = arith.constant 0 : i32
      %dma_wait3A_468 = tpu.memref_slice %arg3[%dma_wait3A_466, %dma_wait3A_467] : memref<30000x768xf32, #tpu.memory_space<hbm>> -> memref<30000x768xf32, #tpu.memory_space<hbm>>
      %dma_wait3A_469 = tpu.memref_slice %arg7[%dma_wait3A_460] : memref<4x!tpu.dma_semaphore, #tpu.memory_space<semaphore_mem>> -> memref<1x!tpu.dma_semaphore, #tpu.memory_space<semaphore_mem>>
      %dma_wait3A_470 = tpu.memref_squeeze %dma_wait3A_469 : memref<1x!tpu.dma_semaphore, #tpu.memory_space<semaphore_mem>> -> memref<!tpu.dma_semaphore, #tpu.memory_space<semaphore_mem>>
      tpu.wait_indirect_dma semaphore(%dma_wait3A_470 : memref<!tpu.dma_semaphore, #tpu.memory_space<semaphore_mem>>) src(%dma_wait3A_468 : memref<30000x768xf32, #tpu.memory_space<hbm>>) dst(%dma_wait3A_464 : memref<32x768xf32, #tpu.memory_space<vmem>>)
      %mul3A_471 = arith.constant 32 : i32
      %mul3A_472 = arith.muli %add3A_456, %mul3A_471 : i32
      %add3A_473 = arith.addi %mul3A_32, %mul3A_472 : i32
      %dma_start3A_474 = arith.constant 2 : i32
      %dma_start3A_475 = arith.constant 2 : i32
      %dma_start3A_476 = arith.constant 0 : i32
      %dma_start3A_477 = arith.constant 0 : i32
      %dma_start3A_478 = tpu.memref_slice %arg6[%dma_start3A_474, %dma_start3A_476, %dma_start3A_477] : memref<4x32x768xf32, #tpu.memory_space<vmem>> -> memref<1x32x768xf32, #tpu.memory_space<vmem>>
      %dma_start3A_479 = tpu.memref_squeeze %dma_start3A_478 : memref<1x32x768xf32, #tpu.memory_space<vmem>> -> memref<32x768xf32, #tpu.memory_space<vmem>>
      %dma_start3A_480 = arith.constant 0 : i32
      %dma_start3A_481 = tpu.memref_slice %arg4[%select_n3A, %add3A_473, %dma_start3A_480] : memref<4x4096x768xf32, #tpu.memory_space<hbm>> -> memref<1x32x768xf32, #tpu.memory_space<hbm>>
      %dma_start3A_482 = tpu.memref_squeeze %dma_start3A_481 : memref<1x32x768xf32, #tpu.memory_space<hbm>> -> memref<32x768xf32, #tpu.memory_space<hbm>>
      %dma_start3A_483 = tpu.memref_slice %arg8[%dma_start3A_475] : memref<4x!tpu.dma_semaphore, #tpu.memory_space<semaphore_mem>> -> memref<1x!tpu.dma_semaphore, #tpu.memory_space<semaphore_mem>>
      %dma_start3A_484 = tpu.memref_squeeze %dma_start3A_483 : memref<1x!tpu.dma_semaphore, #tpu.memory_space<semaphore_mem>> -> memref<!tpu.dma_semaphore, #tpu.memory_space<semaphore_mem>>
      %dma_start3A_485 = arith.constant 0 : i32
      %dma_start3A_486 = tpu.memref_slice %arg4[%select_n3A, %add3A_473, %dma_start3A_485] : memref<4x4096x768xf32, #tpu.memory_space<hbm>> -> memref<1x32x768xf32, #tpu.memory_space<hbm>>
      %dma_start3A_487 = tpu.memref_squeeze %dma_start3A_486 : memref<1x32x768xf32, #tpu.memory_space<hbm>> -> memref<32x768xf32, #tpu.memory_space<hbm>>
      %dma_start3A_488 = arith.constant 0 : i32
      %dma_start3A_489 = arith.constant 0 : i32
      %dma_start3A_490 = tpu.memref_slice %arg6[%dma_start3A_474, %dma_start3A_488, %dma_start3A_489] : memref<4x32x768xf32, #tpu.memory_space<vmem>> -> memref<1x32x768xf32, #tpu.memory_space<vmem>>
      %dma_start3A_491 = tpu.memref_squeeze %dma_start3A_490 : memref<1x32x768xf32, #tpu.memory_space<vmem>> -> memref<32x768xf32, #tpu.memory_space<vmem>>
      tpu.enqueue_dma source(%dma_start3A_491 : memref<32x768xf32, #tpu.memory_space<vmem>>) target(%dma_start3A_487 : memref<32x768xf32, #tpu.memory_space<hbm>>) target_semaphore(%dma_start3A_484 : memref<!tpu.dma_semaphore, #tpu.memory_space<semaphore_mem>>)
      %mul3A_492 = arith.constant 32 : i32
      %mul3A_493 = arith.muli %add3A_456, %mul3A_492 : i32
      %add3A_494 = arith.addi %mul3A_32, %mul3A_493 : i32
      %dma_wait3A_495 = arith.constant 2 : i32
      %dma_wait3A_496 = arith.constant 2 : i32
      %dma_wait3A_497 = arith.constant 0 : i32
      %dma_wait3A_498 = arith.constant 0 : i32
      %dma_wait3A_499 = tpu.memref_slice %arg6[%dma_wait3A_495, %dma_wait3A_497, %dma_wait3A_498] : memref<4x32x768xf32, #tpu.memory_space<vmem>> -> memref<1x32x768xf32, #tpu.memory_space<vmem>>
      %dma_wait3A_500 = tpu.memref_squeeze %dma_wait3A_499 : memref<1x32x768xf32, #tpu.memory_space<vmem>> -> memref<32x768xf32, #tpu.memory_space<vmem>>
      %dma_wait3A_501 = arith.constant 0 : i32
      %dma_wait3A_502 = tpu.memref_slice %arg4[%select_n3A, %add3A_494, %dma_wait3A_501] : memref<4x4096x768xf32, #tpu.memory_space<hbm>> -> memref<1x32x768xf32, #tpu.memory_space<hbm>>
      %dma_wait3A_503 = tpu.memref_squeeze %dma_wait3A_502 : memref<1x32x768xf32, #tpu.memory_space<hbm>> -> memref<32x768xf32, #tpu.memory_space<hbm>>
      %dma_wait3A_504 = tpu.memref_slice %arg8[%dma_wait3A_496] : memref<4x!tpu.dma_semaphore, #tpu.memory_space<semaphore_mem>> -> memref<1x!tpu.dma_semaphore, #tpu.memory_space<semaphore_mem>>
      %dma_wait3A_505 = tpu.memref_squeeze %dma_wait3A_504 : memref<1x!tpu.dma_semaphore, #tpu.memory_space<semaphore_mem>> -> memref<!tpu.dma_semaphore, #tpu.memory_space<semaphore_mem>>
      %dma_wait3A_506 = arith.constant 0 : i32
      %dma_wait3A_507 = tpu.memref_slice %arg4[%select_n3A, %add3A_494, %dma_wait3A_506] : memref<4x4096x768xf32, #tpu.memory_space<hbm>> -> memref<1x32x768xf32, #tpu.memory_space<hbm>>
      %dma_wait3A_508 = tpu.memref_squeeze %dma_wait3A_507 : memref<1x32x768xf32, #tpu.memory_space<hbm>> -> memref<32x768xf32, #tpu.memory_space<hbm>>
      %dma_wait3A_509 = arith.constant 0 : i32
      %dma_wait3A_510 = arith.constant 0 : i32
      %dma_wait3A_511 = tpu.memref_slice %arg6[%dma_wait3A_495, %dma_wait3A_509, %dma_wait3A_510] : memref<4x32x768xf32, #tpu.memory_space<vmem>> -> memref<1x32x768xf32, #tpu.memory_space<vmem>>
      %dma_wait3A_512 = tpu.memref_squeeze %dma_wait3A_511 : memref<1x32x768xf32, #tpu.memory_space<vmem>> -> memref<32x768xf32, #tpu.memory_space<vmem>>
      tpu.wait_dma2 semaphore(%dma_wait3A_505 : memref<!tpu.dma_semaphore, #tpu.memory_space<semaphore_mem>>) src(%dma_wait3A_512 : memref<32x768xf32, #tpu.memory_space<vmem>>) dst(%dma_wait3A_508 : memref<32x768xf32, #tpu.memory_space<hbm>>)
      %add3A_513 = arith.constant 4 : i32
      %add3A_514 = arith.addi %add3A_456, %add3A_513 : i32
      %mul3A_515 = arith.constant 32 : i32
      %mul3A_516 = arith.muli %add3A_514, %mul3A_515 : i32
      %dma_start3A_517 = arith.constant 2 : i32
      %dma_start3A_518 = arith.constant 2 : i32
      %dma_start3A_519 = arith.constant 0 : i32
      %dma_start3A_520 = arith.constant 0 : i32
      %dma_start3A_521 = tpu.memref_slice %arg6[%dma_start3A_517, %dma_start3A_519, %dma_start3A_520] : memref<4x32x768xf32, #tpu.memory_space<vmem>> -> memref<1x32x768xf32, #tpu.memory_space<vmem>>
      %dma_start3A_522 = tpu.memref_squeeze %dma_start3A_521 : memref<1x32x768xf32, #tpu.memory_space<vmem>> -> memref<32x768xf32, #tpu.memory_space<vmem>>
      %dma_start3A_523 = tpu.memref_slice %arg5[%mul3A_516] : memref<512xi32, #tpu.memory_space<vmem>> -> memref<32xi32, #tpu.memory_space<vmem>>
      %dma_start3A_524 = arith.constant 0 : i32
      %dma_start3A_525 = arith.constant 0 : i32
      %dma_start3A_526 = tpu.memref_slice %arg3[%dma_start3A_524, %dma_start3A_525] : memref<30000x768xf32, #tpu.memory_space<hbm>> -> memref<30000x768xf32, #tpu.memory_space<hbm>>
      %dma_start3A_527 = tpu.memref_slice %arg7[%dma_start3A_518] : memref<4x!tpu.dma_semaphore, #tpu.memory_space<semaphore_mem>> -> memref<1x!tpu.dma_semaphore, #tpu.memory_space<semaphore_mem>>
      %dma_start3A_528 = tpu.memref_squeeze %dma_start3A_527 : memref<1x!tpu.dma_semaphore, #tpu.memory_space<semaphore_mem>> -> memref<!tpu.dma_semaphore, #tpu.memory_space<semaphore_mem>>
      tpu.enqueue_indirect_dma source(%dma_start3A_526 : memref<30000x768xf32, #tpu.memory_space<hbm>>) target(%dma_start3A_522 : memref<32x768xf32, #tpu.memory_space<vmem>>) offsets(%dma_start3A_523 : memref<32xi32, #tpu.memory_space<vmem>>) semaphore(%dma_start3A_528 : memref<!tpu.dma_semaphore, #tpu.memory_space<semaphore_mem>>)
      %mul3A_529 = arith.constant 4 : i32
      %mul3A_530 = arith.muli %scan3A_300, %mul3A_529 : i32
      %add3A_531 = arith.constant 3 : i32
      %add3A_532 = arith.addi %mul3A_530, %add3A_531 : i32
      %mul3A_533 = arith.constant 32 : i32
      %mul3A_534 = arith.muli %add3A_532, %mul3A_533 : i32
      %dma_wait3A_535 = arith.constant 3 : i32
      %dma_wait3A_536 = arith.constant 3 : i32
      %dma_wait3A_537 = arith.constant 0 : i32
      %dma_wait3A_538 = arith.constant 0 : i32
      %dma_wait3A_539 = tpu.memref_slice %arg6[%dma_wait3A_535, %dma_wait3A_537, %dma_wait3A_538] : memref<4x32x768xf32, #tpu.memory_space<vmem>> -> memref<1x32x768xf32, #tpu.memory_space<vmem>>
      %dma_wait3A_540 = tpu.memref_squeeze %dma_wait3A_539 : memref<1x32x768xf32, #tpu.memory_space<vmem>> -> memref<32x768xf32, #tpu.memory_space<vmem>>
      %dma_wait3A_541 = tpu.memref_slice %arg5[%mul3A_534] : memref<512xi32, #tpu.memory_space<vmem>> -> memref<32xi32, #tpu.memory_space<vmem>>
      %dma_wait3A_542 = arith.constant 0 : i32
      %dma_wait3A_543 = arith.constant 0 : i32
      %dma_wait3A_544 = tpu.memref_slice %arg3[%dma_wait3A_542, %dma_wait3A_543] : memref<30000x768xf32, #tpu.memory_space<hbm>> -> memref<30000x768xf32, #tpu.memory_space<hbm>>
      %dma_wait3A_545 = tpu.memref_slice %arg7[%dma_wait3A_536] : memref<4x!tpu.dma_semaphore, #tpu.memory_space<semaphore_mem>> -> memref<1x!tpu.dma_semaphore, #tpu.memory_space<semaphore_mem>>
      %dma_wait3A_546 = tpu.memref_squeeze %dma_wait3A_545 : memref<1x!tpu.dma_semaphore, #tpu.memory_space<semaphore_mem>> -> memref<!tpu.dma_semaphore, #tpu.memory_space<semaphore_mem>>
      tpu.wait_indirect_dma semaphore(%dma_wait3A_546 : memref<!tpu.dma_semaphore, #tpu.memory_space<semaphore_mem>>) src(%dma_wait3A_544 : memref<30000x768xf32, #tpu.memory_space<hbm>>) dst(%dma_wait3A_540 : memref<32x768xf32, #tpu.memory_space<vmem>>)
      %mul3A_547 = arith.constant 32 : i32
      %mul3A_548 = arith.muli %add3A_532, %mul3A_547 : i32
      %add3A_549 = arith.addi %mul3A_32, %mul3A_548 : i32
      %dma_start3A_550 = arith.constant 3 : i32
      %dma_start3A_551 = arith.constant 3 : i32
      %dma_start3A_552 = arith.constant 0 : i32
      %dma_start3A_553 = arith.constant 0 : i32
      %dma_start3A_554 = tpu.memref_slice %arg6[%dma_start3A_550, %dma_start3A_552, %dma_start3A_553] : memref<4x32x768xf32, #tpu.memory_space<vmem>> -> memref<1x32x768xf32, #tpu.memory_space<vmem>>
      %dma_start3A_555 = tpu.memref_squeeze %dma_start3A_554 : memref<1x32x768xf32, #tpu.memory_space<vmem>> -> memref<32x768xf32, #tpu.memory_space<vmem>>
      %dma_start3A_556 = arith.constant 0 : i32
      %dma_start3A_557 = tpu.memref_slice %arg4[%select_n3A, %add3A_549, %dma_start3A_556] : memref<4x4096x768xf32, #tpu.memory_space<hbm>> -> memref<1x32x768xf32, #tpu.memory_space<hbm>>
      %dma_start3A_558 = tpu.memref_squeeze %dma_start3A_557 : memref<1x32x768xf32, #tpu.memory_space<hbm>> -> memref<32x768xf32, #tpu.memory_space<hbm>>
      %dma_start3A_559 = tpu.memref_slice %arg8[%dma_start3A_551] : memref<4x!tpu.dma_semaphore, #tpu.memory_space<semaphore_mem>> -> memref<1x!tpu.dma_semaphore, #tpu.memory_space<semaphore_mem>>
      %dma_start3A_560 = tpu.memref_squeeze %dma_start3A_559 : memref<1x!tpu.dma_semaphore, #tpu.memory_space<semaphore_mem>> -> memref<!tpu.dma_semaphore, #tpu.memory_space<semaphore_mem>>
      %dma_start3A_561 = arith.constant 0 : i32
      %dma_start3A_562 = tpu.memref_slice %arg4[%select_n3A, %add3A_549, %dma_start3A_561] : memref<4x4096x768xf32, #tpu.memory_space<hbm>> -> memref<1x32x768xf32, #tpu.memory_space<hbm>>
      %dma_start3A_563 = tpu.memref_squeeze %dma_start3A_562 : memref<1x32x768xf32, #tpu.memory_space<hbm>> -> memref<32x768xf32, #tpu.memory_space<hbm>>
      %dma_start3A_564 = arith.constant 0 : i32
      %dma_start3A_565 = arith.constant 0 : i32
      %dma_start3A_566 = tpu.memref_slice %arg6[%dma_start3A_550, %dma_start3A_564, %dma_start3A_565] : memref<4x32x768xf32, #tpu.memory_space<vmem>> -> memref<1x32x768xf32, #tpu.memory_space<vmem>>
      %dma_start3A_567 = tpu.memref_squeeze %dma_start3A_566 : memref<1x32x768xf32, #tpu.memory_space<vmem>> -> memref<32x768xf32, #tpu.memory_space<vmem>>
      tpu.enqueue_dma source(%dma_start3A_567 : memref<32x768xf32, #tpu.memory_space<vmem>>) target(%dma_start3A_563 : memref<32x768xf32, #tpu.memory_space<hbm>>) target_semaphore(%dma_start3A_560 : memref<!tpu.dma_semaphore, #tpu.memory_space<semaphore_mem>>)
      %mul3A_568 = arith.constant 32 : i32
      %mul3A_569 = arith.muli %add3A_532, %mul3A_568 : i32
      %add3A_570 = arith.addi %mul3A_32, %mul3A_569 : i32
      %dma_wait3A_571 = arith.constant 3 : i32
      %dma_wait3A_572 = arith.constant 3 : i32
      %dma_wait3A_573 = arith.constant 0 : i32
      %dma_wait3A_574 = arith.constant 0 : i32
      %dma_wait3A_575 = tpu.memref_slice %arg6[%dma_wait3A_571, %dma_wait3A_573, %dma_wait3A_574] : memref<4x32x768xf32, #tpu.memory_space<vmem>> -> memref<1x32x768xf32, #tpu.memory_space<vmem>>
      %dma_wait3A_576 = tpu.memref_squeeze %dma_wait3A_575 : memref<1x32x768xf32, #tpu.memory_space<vmem>> -> memref<32x768xf32, #tpu.memory_space<vmem>>
      %dma_wait3A_577 = arith.constant 0 : i32
      %dma_wait3A_578 = tpu.memref_slice %arg4[%select_n3A, %add3A_570, %dma_wait3A_577] : memref<4x4096x768xf32, #tpu.memory_space<hbm>> -> memref<1x32x768xf32, #tpu.memory_space<hbm>>
      %dma_wait3A_579 = tpu.memref_squeeze %dma_wait3A_578 : memref<1x32x768xf32, #tpu.memory_space<hbm>> -> memref<32x768xf32, #tpu.memory_space<hbm>>
      %dma_wait3A_580 = tpu.memref_slice %arg8[%dma_wait3A_572] : memref<4x!tpu.dma_semaphore, #tpu.memory_space<semaphore_mem>> -> memref<1x!tpu.dma_semaphore, #tpu.memory_space<semaphore_mem>>
      %dma_wait3A_581 = tpu.memref_squeeze %dma_wait3A_580 : memref<1x!tpu.dma_semaphore, #tpu.memory_space<semaphore_mem>> -> memref<!tpu.dma_semaphore, #tpu.memory_space<semaphore_mem>>
      %dma_wait3A_582 = arith.constant 0 : i32
      %dma_wait3A_583 = tpu.memref_slice %arg4[%select_n3A, %add3A_570, %dma_wait3A_582] : memref<4x4096x768xf32, #tpu.memory_space<hbm>> -> memref<1x32x768xf32, #tpu.memory_space<hbm>>
      %dma_wait3A_584 = tpu.memref_squeeze %dma_wait3A_583 : memref<1x32x768xf32, #tpu.memory_space<hbm>> -> memref<32x768xf32, #tpu.memory_space<hbm>>
      %dma_wait3A_585 = arith.constant 0 : i32
      %dma_wait3A_586 = arith.constant 0 : i32
      %dma_wait3A_587 = tpu.memref_slice %arg6[%dma_wait3A_571, %dma_wait3A_585, %dma_wait3A_586] : memref<4x32x768xf32, #tpu.memory_space<vmem>> -> memref<1x32x768xf32, #tpu.memory_space<vmem>>
      %dma_wait3A_588 = tpu.memref_squeeze %dma_wait3A_587 : memref<1x32x768xf32, #tpu.memory_space<vmem>> -> memref<32x768xf32, #tpu.memory_space<vmem>>
      tpu.wait_dma2 semaphore(%dma_wait3A_581 : memref<!tpu.dma_semaphore, #tpu.memory_space<semaphore_mem>>) src(%dma_wait3A_588 : memref<32x768xf32, #tpu.memory_space<vmem>>) dst(%dma_wait3A_584 : memref<32x768xf32, #tpu.memory_space<hbm>>)
      %add3A_589 = arith.constant 4 : i32
      %add3A_590 = arith.addi %add3A_532, %add3A_589 : i32
      %mul3A_591 = arith.constant 32 : i32
      %mul3A_592 = arith.muli %add3A_590, %mul3A_591 : i32
      %dma_start3A_593 = arith.constant 3 : i32
      %dma_start3A_594 = arith.constant 3 : i32
      %dma_start3A_595 = arith.constant 0 : i32
      %dma_start3A_596 = arith.constant 0 : i32
      %dma_start3A_597 = tpu.memref_slice %arg6[%dma_start3A_593, %dma_start3A_595, %dma_start3A_596] : memref<4x32x768xf32, #tpu.memory_space<vmem>> -> memref<1x32x768xf32, #tpu.memory_space<vmem>>
      %dma_start3A_598 = tpu.memref_squeeze %dma_start3A_597 : memref<1x32x768xf32, #tpu.memory_space<vmem>> -> memref<32x768xf32, #tpu.memory_space<vmem>>
      %dma_start3A_599 = tpu.memref_slice %arg5[%mul3A_592] : memref<512xi32, #tpu.memory_space<vmem>> -> memref<32xi32, #tpu.memory_space<vmem>>
      %dma_start3A_600 = arith.constant 0 : i32
      %dma_start3A_601 = arith.constant 0 : i32
      %dma_start3A_602 = tpu.memref_slice %arg3[%dma_start3A_600, %dma_start3A_601] : memref<30000x768xf32, #tpu.memory_space<hbm>> -> memref<30000x768xf32, #tpu.memory_space<hbm>>
      %dma_start3A_603 = tpu.memref_slice %arg7[%dma_start3A_594] : memref<4x!tpu.dma_semaphore, #tpu.memory_space<semaphore_mem>> -> memref<1x!tpu.dma_semaphore, #tpu.memory_space<semaphore_mem>>
      %dma_start3A_604 = tpu.memref_squeeze %dma_start3A_603 : memref<1x!tpu.dma_semaphore, #tpu.memory_space<semaphore_mem>> -> memref<!tpu.dma_semaphore, #tpu.memory_space<semaphore_mem>>
      tpu.enqueue_indirect_dma source(%dma_start3A_602 : memref<30000x768xf32, #tpu.memory_space<hbm>>) target(%dma_start3A_598 : memref<32x768xf32, #tpu.memory_space<vmem>>) offsets(%dma_start3A_599 : memref<32xi32, #tpu.memory_space<vmem>>) semaphore(%dma_start3A_604 : memref<!tpu.dma_semaphore, #tpu.memory_space<semaphore_mem>>)
    }
    %scan3A_88 = arith.constant 3 : i32
    %dma_wait3A = arith.constant 0 : i32
    %dma_wait3A_89 = arith.constant 0 : i32
    %dma_wait3A_90 = arith.constant 0 : i32
    %dma_wait3A_91 = arith.constant 0 : i32
    %dma_wait3A_92 = tpu.memref_slice %arg6[%dma_wait3A, %dma_wait3A_90, %dma_wait3A_91] : memref<4x32x768xf32, #tpu.memory_space<vmem>> -> memref<1x32x768xf32, #tpu.memory_space<vmem>>
    %dma_wait3A_93 = tpu.memref_squeeze %dma_wait3A_92 : memref<1x32x768xf32, #tpu.memory_space<vmem>> -> memref<32x768xf32, #tpu.memory_space<vmem>>
    %dma_wait3A_94 = arith.constant 384 : i32
    %dma_wait3A_95 = tpu.memref_slice %arg5[%dma_wait3A_94] : memref<512xi32, #tpu.memory_space<vmem>> -> memref<32xi32, #tpu.memory_space<vmem>>
    %dma_wait3A_96 = arith.constant 0 : i32
    %dma_wait3A_97 = arith.constant 0 : i32
    %dma_wait3A_98 = tpu.memref_slice %arg3[%dma_wait3A_96, %dma_wait3A_97] : memref<30000x768xf32, #tpu.memory_space<hbm>> -> memref<30000x768xf32, #tpu.memory_space<hbm>>
    %dma_wait3A_99 = tpu.memref_slice %arg7[%dma_wait3A_89] : memref<4x!tpu.dma_semaphore, #tpu.memory_space<semaphore_mem>> -> memref<1x!tpu.dma_semaphore, #tpu.memory_space<semaphore_mem>>
    %dma_wait3A_100 = tpu.memref_squeeze %dma_wait3A_99 : memref<1x!tpu.dma_semaphore, #tpu.memory_space<semaphore_mem>> -> memref<!tpu.dma_semaphore, #tpu.memory_space<semaphore_mem>>
    tpu.wait_indirect_dma semaphore(%dma_wait3A_100 : memref<!tpu.dma_semaphore, #tpu.memory_space<semaphore_mem>>) src(%dma_wait3A_98 : memref<30000x768xf32, #tpu.memory_space<hbm>>) dst(%dma_wait3A_93 : memref<32x768xf32, #tpu.memory_space<vmem>>)
    %add3A_101 = arith.constant 384 : i32
    %add3A_102 = arith.addi %mul3A_32, %add3A_101 : i32
    %dma_start3A_103 = arith.constant 0 : i32
    %dma_start3A_104 = arith.constant 0 : i32
    %dma_start3A_105 = arith.constant 0 : i32
    %dma_start3A_106 = arith.constant 0 : i32
    %dma_start3A_107 = tpu.memref_slice %arg6[%dma_start3A_103, %dma_start3A_105, %dma_start3A_106] : memref<4x32x768xf32, #tpu.memory_space<vmem>> -> memref<1x32x768xf32, #tpu.memory_space<vmem>>
    %dma_start3A_108 = tpu.memref_squeeze %dma_start3A_107 : memref<1x32x768xf32, #tpu.memory_space<vmem>> -> memref<32x768xf32, #tpu.memory_space<vmem>>
    %dma_start3A_109 = arith.constant 0 : i32
    %dma_start3A_110 = tpu.memref_slice %arg4[%select_n3A, %add3A_102, %dma_start3A_109] : memref<4x4096x768xf32, #tpu.memory_space<hbm>> -> memref<1x32x768xf32, #tpu.memory_space<hbm>>
    %dma_start3A_111 = tpu.memref_squeeze %dma_start3A_110 : memref<1x32x768xf32, #tpu.memory_space<hbm>> -> memref<32x768xf32, #tpu.memory_space<hbm>>
    %dma_start3A_112 = tpu.memref_slice %arg8[%dma_start3A_104] : memref<4x!tpu.dma_semaphore, #tpu.memory_space<semaphore_mem>> -> memref<1x!tpu.dma_semaphore, #tpu.memory_space<semaphore_mem>>
    %dma_start3A_113 = tpu.memref_squeeze %dma_start3A_112 : memref<1x!tpu.dma_semaphore, #tpu.memory_space<semaphore_mem>> -> memref<!tpu.dma_semaphore, #tpu.memory_space<semaphore_mem>>
    %dma_start3A_114 = arith.constant 0 : i32
    %dma_start3A_115 = tpu.memref_slice %arg4[%select_n3A, %add3A_102, %dma_start3A_114] : memref<4x4096x768xf32, #tpu.memory_space<hbm>> -> memref<1x32x768xf32, #tpu.memory_space<hbm>>
    %dma_start3A_116 = tpu.memref_squeeze %dma_start3A_115 : memref<1x32x768xf32, #tpu.memory_space<hbm>> -> memref<32x768xf32, #tpu.memory_space<hbm>>
    %dma_start3A_117 = arith.constant 0 : i32
    %dma_start3A_118 = arith.constant 0 : i32
    %dma_start3A_119 = tpu.memref_slice %arg6[%dma_start3A_103, %dma_start3A_117, %dma_start3A_118] : memref<4x32x768xf32, #tpu.memory_space<vmem>> -> memref<1x32x768xf32, #tpu.memory_space<vmem>>
    %dma_start3A_120 = tpu.memref_squeeze %dma_start3A_119 : memref<1x32x768xf32, #tpu.memory_space<vmem>> -> memref<32x768xf32, #tpu.memory_space<vmem>>
    tpu.enqueue_dma source(%dma_start3A_120 : memref<32x768xf32, #tpu.memory_space<vmem>>) target(%dma_start3A_116 : memref<32x768xf32, #tpu.memory_space<hbm>>) target_semaphore(%dma_start3A_113 : memref<!tpu.dma_semaphore, #tpu.memory_space<semaphore_mem>>)
    %add3A_121 = arith.constant 384 : i32
    %add3A_122 = arith.addi %mul3A_32, %add3A_121 : i32
    %dma_wait3A_123 = arith.constant 0 : i32
    %dma_wait3A_124 = arith.constant 0 : i32
    %dma_wait3A_125 = arith.constant 0 : i32
    %dma_wait3A_126 = arith.constant 0 : i32
    %dma_wait3A_127 = tpu.memref_slice %arg6[%dma_wait3A_123, %dma_wait3A_125, %dma_wait3A_126] : memref<4x32x768xf32, #tpu.memory_space<vmem>> -> memref<1x32x768xf32, #tpu.memory_space<vmem>>
    %dma_wait3A_128 = tpu.memref_squeeze %dma_wait3A_127 : memref<1x32x768xf32, #tpu.memory_space<vmem>> -> memref<32x768xf32, #tpu.memory_space<vmem>>
    %dma_wait3A_129 = arith.constant 0 : i32
    %dma_wait3A_130 = tpu.memref_slice %arg4[%select_n3A, %add3A_122, %dma_wait3A_129] : memref<4x4096x768xf32, #tpu.memory_space<hbm>> -> memref<1x32x768xf32, #tpu.memory_space<hbm>>
    %dma_wait3A_131 = tpu.memref_squeeze %dma_wait3A_130 : memref<1x32x768xf32, #tpu.memory_space<hbm>> -> memref<32x768xf32, #tpu.memory_space<hbm>>
    %dma_wait3A_132 = tpu.memref_slice %arg8[%dma_wait3A_124] : memref<4x!tpu.dma_semaphore, #tpu.memory_space<semaphore_mem>> -> memref<1x!tpu.dma_semaphore, #tpu.memory_space<semaphore_mem>>
    %dma_wait3A_133 = tpu.memref_squeeze %dma_wait3A_132 : memref<1x!tpu.dma_semaphore, #tpu.memory_space<semaphore_mem>> -> memref<!tpu.dma_semaphore, #tpu.memory_space<semaphore_mem>>
    %dma_wait3A_134 = arith.constant 0 : i32
    %dma_wait3A_135 = tpu.memref_slice %arg4[%select_n3A, %add3A_122, %dma_wait3A_134] : memref<4x4096x768xf32, #tpu.memory_space<hbm>> -> memref<1x32x768xf32, #tpu.memory_space<hbm>>
    %dma_wait3A_136 = tpu.memref_squeeze %dma_wait3A_135 : memref<1x32x768xf32, #tpu.memory_space<hbm>> -> memref<32x768xf32, #tpu.memory_space<hbm>>
    %dma_wait3A_137 = arith.constant 0 : i32
    %dma_wait3A_138 = arith.constant 0 : i32
    %dma_wait3A_139 = tpu.memref_slice %arg6[%dma_wait3A_123, %dma_wait3A_137, %dma_wait3A_138] : memref<4x32x768xf32, #tpu.memory_space<vmem>> -> memref<1x32x768xf32, #tpu.memory_space<vmem>>
    %dma_wait3A_140 = tpu.memref_squeeze %dma_wait3A_139 : memref<1x32x768xf32, #tpu.memory_space<vmem>> -> memref<32x768xf32, #tpu.memory_space<vmem>>
    tpu.wait_dma2 semaphore(%dma_wait3A_133 : memref<!tpu.dma_semaphore, #tpu.memory_space<semaphore_mem>>) src(%dma_wait3A_140 : memref<32x768xf32, #tpu.memory_space<vmem>>) dst(%dma_wait3A_136 : memref<32x768xf32, #tpu.memory_space<hbm>>)
    %dma_wait3A_141 = arith.constant 1 : i32
    %dma_wait3A_142 = arith.constant 1 : i32
    %dma_wait3A_143 = arith.constant 0 : i32
    %dma_wait3A_144 = arith.constant 0 : i32
    %dma_wait3A_145 = tpu.memref_slice %arg6[%dma_wait3A_141, %dma_wait3A_143, %dma_wait3A_144] : memref<4x32x768xf32, #tpu.memory_space<vmem>> -> memref<1x32x768xf32, #tpu.memory_space<vmem>>
    %dma_wait3A_146 = tpu.memref_squeeze %dma_wait3A_145 : memref<1x32x768xf32, #tpu.memory_space<vmem>> -> memref<32x768xf32, #tpu.memory_space<vmem>>
    %dma_wait3A_147 = arith.constant 416 : i32
    %dma_wait3A_148 = tpu.memref_slice %arg5[%dma_wait3A_147] : memref<512xi32, #tpu.memory_space<vmem>> -> memref<32xi32, #tpu.memory_space<vmem>>
    %dma_wait3A_149 = arith.constant 0 : i32
    %dma_wait3A_150 = arith.constant 0 : i32
    %dma_wait3A_151 = tpu.memref_slice %arg3[%dma_wait3A_149, %dma_wait3A_150] : memref<30000x768xf32, #tpu.memory_space<hbm>> -> memref<30000x768xf32, #tpu.memory_space<hbm>>
    %dma_wait3A_152 = tpu.memref_slice %arg7[%dma_wait3A_142] : memref<4x!tpu.dma_semaphore, #tpu.memory_space<semaphore_mem>> -> memref<1x!tpu.dma_semaphore, #tpu.memory_space<semaphore_mem>>
    %dma_wait3A_153 = tpu.memref_squeeze %dma_wait3A_152 : memref<1x!tpu.dma_semaphore, #tpu.memory_space<semaphore_mem>> -> memref<!tpu.dma_semaphore, #tpu.memory_space<semaphore_mem>>
    tpu.wait_indirect_dma semaphore(%dma_wait3A_153 : memref<!tpu.dma_semaphore, #tpu.memory_space<semaphore_mem>>) src(%dma_wait3A_151 : memref<30000x768xf32, #tpu.memory_space<hbm>>) dst(%dma_wait3A_146 : memref<32x768xf32, #tpu.memory_space<vmem>>)
    %add3A_154 = arith.constant 416 : i32
    %add3A_155 = arith.addi %mul3A_32, %add3A_154 : i32
    %dma_start3A_156 = arith.constant 1 : i32
    %dma_start3A_157 = arith.constant 1 : i32
    %dma_start3A_158 = arith.constant 0 : i32
    %dma_start3A_159 = arith.constant 0 : i32
    %dma_start3A_160 = tpu.memref_slice %arg6[%dma_start3A_156, %dma_start3A_158, %dma_start3A_159] : memref<4x32x768xf32, #tpu.memory_space<vmem>> -> memref<1x32x768xf32, #tpu.memory_space<vmem>>
    %dma_start3A_161 = tpu.memref_squeeze %dma_start3A_160 : memref<1x32x768xf32, #tpu.memory_space<vmem>> -> memref<32x768xf32, #tpu.memory_space<vmem>>
    %dma_start3A_162 = arith.constant 0 : i32
    %dma_start3A_163 = tpu.memref_slice %arg4[%select_n3A, %add3A_155, %dma_start3A_162] : memref<4x4096x768xf32, #tpu.memory_space<hbm>> -> memref<1x32x768xf32, #tpu.memory_space<hbm>>
    %dma_start3A_164 = tpu.memref_squeeze %dma_start3A_163 : memref<1x32x768xf32, #tpu.memory_space<hbm>> -> memref<32x768xf32, #tpu.memory_space<hbm>>
    %dma_start3A_165 = tpu.memref_slice %arg8[%dma_start3A_157] : memref<4x!tpu.dma_semaphore, #tpu.memory_space<semaphore_mem>> -> memref<1x!tpu.dma_semaphore, #tpu.memory_space<semaphore_mem>>
    %dma_start3A_166 = tpu.memref_squeeze %dma_start3A_165 : memref<1x!tpu.dma_semaphore, #tpu.memory_space<semaphore_mem>> -> memref<!tpu.dma_semaphore, #tpu.memory_space<semaphore_mem>>
    %dma_start3A_167 = arith.constant 0 : i32
    %dma_start3A_168 = tpu.memref_slice %arg4[%select_n3A, %add3A_155, %dma_start3A_167] : memref<4x4096x768xf32, #tpu.memory_space<hbm>> -> memref<1x32x768xf32, #tpu.memory_space<hbm>>
    %dma_start3A_169 = tpu.memref_squeeze %dma_start3A_168 : memref<1x32x768xf32, #tpu.memory_space<hbm>> -> memref<32x768xf32, #tpu.memory_space<hbm>>
    %dma_start3A_170 = arith.constant 0 : i32
    %dma_start3A_171 = arith.constant 0 : i32
    %dma_start3A_172 = tpu.memref_slice %arg6[%dma_start3A_156, %dma_start3A_170, %dma_start3A_171] : memref<4x32x768xf32, #tpu.memory_space<vmem>> -> memref<1x32x768xf32, #tpu.memory_space<vmem>>
    %dma_start3A_173 = tpu.memref_squeeze %dma_start3A_172 : memref<1x32x768xf32, #tpu.memory_space<vmem>> -> memref<32x768xf32, #tpu.memory_space<vmem>>
    tpu.enqueue_dma source(%dma_start3A_173 : memref<32x768xf32, #tpu.memory_space<vmem>>) target(%dma_start3A_169 : memref<32x768xf32, #tpu.memory_space<hbm>>) target_semaphore(%dma_start3A_166 : memref<!tpu.dma_semaphore, #tpu.memory_space<semaphore_mem>>)
    %add3A_174 = arith.constant 416 : i32
    %add3A_175 = arith.addi %mul3A_32, %add3A_174 : i32
    %dma_wait3A_176 = arith.constant 1 : i32
    %dma_wait3A_177 = arith.constant 1 : i32
    %dma_wait3A_178 = arith.constant 0 : i32
    %dma_wait3A_179 = arith.constant 0 : i32
    %dma_wait3A_180 = tpu.memref_slice %arg6[%dma_wait3A_176, %dma_wait3A_178, %dma_wait3A_179] : memref<4x32x768xf32, #tpu.memory_space<vmem>> -> memref<1x32x768xf32, #tpu.memory_space<vmem>>
    %dma_wait3A_181 = tpu.memref_squeeze %dma_wait3A_180 : memref<1x32x768xf32, #tpu.memory_space<vmem>> -> memref<32x768xf32, #tpu.memory_space<vmem>>
    %dma_wait3A_182 = arith.constant 0 : i32
    %dma_wait3A_183 = tpu.memref_slice %arg4[%select_n3A, %add3A_175, %dma_wait3A_182] : memref<4x4096x768xf32, #tpu.memory_space<hbm>> -> memref<1x32x768xf32, #tpu.memory_space<hbm>>
    %dma_wait3A_184 = tpu.memref_squeeze %dma_wait3A_183 : memref<1x32x768xf32, #tpu.memory_space<hbm>> -> memref<32x768xf32, #tpu.memory_space<hbm>>
    %dma_wait3A_185 = tpu.memref_slice %arg8[%dma_wait3A_177] : memref<4x!tpu.dma_semaphore, #tpu.memory_space<semaphore_mem>> -> memref<1x!tpu.dma_semaphore, #tpu.memory_space<semaphore_mem>>
    %dma_wait3A_186 = tpu.memref_squeeze %dma_wait3A_185 : memref<1x!tpu.dma_semaphore, #tpu.memory_space<semaphore_mem>> -> memref<!tpu.dma_semaphore, #tpu.memory_space<semaphore_mem>>
    %dma_wait3A_187 = arith.constant 0 : i32
    %dma_wait3A_188 = tpu.memref_slice %arg4[%select_n3A, %add3A_175, %dma_wait3A_187] : memref<4x4096x768xf32, #tpu.memory_space<hbm>> -> memref<1x32x768xf32, #tpu.memory_space<hbm>>
    %dma_wait3A_189 = tpu.memref_squeeze %dma_wait3A_188 : memref<1x32x768xf32, #tpu.memory_space<hbm>> -> memref<32x768xf32, #tpu.memory_space<hbm>>
    %dma_wait3A_190 = arith.constant 0 : i32
    %dma_wait3A_191 = arith.constant 0 : i32
    %dma_wait3A_192 = tpu.memref_slice %arg6[%dma_wait3A_176, %dma_wait3A_190, %dma_wait3A_191] : memref<4x32x768xf32, #tpu.memory_space<vmem>> -> memref<1x32x768xf32, #tpu.memory_space<vmem>>
    %dma_wait3A_193 = tpu.memref_squeeze %dma_wait3A_192 : memref<1x32x768xf32, #tpu.memory_space<vmem>> -> memref<32x768xf32, #tpu.memory_space<vmem>>
    tpu.wait_dma2 semaphore(%dma_wait3A_186 : memref<!tpu.dma_semaphore, #tpu.memory_space<semaphore_mem>>) src(%dma_wait3A_193 : memref<32x768xf32, #tpu.memory_space<vmem>>) dst(%dma_wait3A_189 : memref<32x768xf32, #tpu.memory_space<hbm>>)
    %dma_wait3A_194 = arith.constant 2 : i32
    %dma_wait3A_195 = arith.constant 2 : i32
    %dma_wait3A_196 = arith.constant 0 : i32
    %dma_wait3A_197 = arith.constant 0 : i32
    %dma_wait3A_198 = tpu.memref_slice %arg6[%dma_wait3A_194, %dma_wait3A_196, %dma_wait3A_197] : memref<4x32x768xf32, #tpu.memory_space<vmem>> -> memref<1x32x768xf32, #tpu.memory_space<vmem>>
    %dma_wait3A_199 = tpu.memref_squeeze %dma_wait3A_198 : memref<1x32x768xf32, #tpu.memory_space<vmem>> -> memref<32x768xf32, #tpu.memory_space<vmem>>
    %dma_wait3A_200 = arith.constant 448 : i32
    %dma_wait3A_201 = tpu.memref_slice %arg5[%dma_wait3A_200] : memref<512xi32, #tpu.memory_space<vmem>> -> memref<32xi32, #tpu.memory_space<vmem>>
    %dma_wait3A_202 = arith.constant 0 : i32
    %dma_wait3A_203 = arith.constant 0 : i32
    %dma_wait3A_204 = tpu.memref_slice %arg3[%dma_wait3A_202, %dma_wait3A_203] : memref<30000x768xf32, #tpu.memory_space<hbm>> -> memref<30000x768xf32, #tpu.memory_space<hbm>>
    %dma_wait3A_205 = tpu.memref_slice %arg7[%dma_wait3A_195] : memref<4x!tpu.dma_semaphore, #tpu.memory_space<semaphore_mem>> -> memref<1x!tpu.dma_semaphore, #tpu.memory_space<semaphore_mem>>
    %dma_wait3A_206 = tpu.memref_squeeze %dma_wait3A_205 : memref<1x!tpu.dma_semaphore, #tpu.memory_space<semaphore_mem>> -> memref<!tpu.dma_semaphore, #tpu.memory_space<semaphore_mem>>
    tpu.wait_indirect_dma semaphore(%dma_wait3A_206 : memref<!tpu.dma_semaphore, #tpu.memory_space<semaphore_mem>>) src(%dma_wait3A_204 : memref<30000x768xf32, #tpu.memory_space<hbm>>) dst(%dma_wait3A_199 : memref<32x768xf32, #tpu.memory_space<vmem>>)
    %add3A_207 = arith.constant 448 : i32
    %add3A_208 = arith.addi %mul3A_32, %add3A_207 : i32
    %dma_start3A_209 = arith.constant 2 : i32
    %dma_start3A_210 = arith.constant 2 : i32
    %dma_start3A_211 = arith.constant 0 : i32
    %dma_start3A_212 = arith.constant 0 : i32
    %dma_start3A_213 = tpu.memref_slice %arg6[%dma_start3A_209, %dma_start3A_211, %dma_start3A_212] : memref<4x32x768xf32, #tpu.memory_space<vmem>> -> memref<1x32x768xf32, #tpu.memory_space<vmem>>
    %dma_start3A_214 = tpu.memref_squeeze %dma_start3A_213 : memref<1x32x768xf32, #tpu.memory_space<vmem>> -> memref<32x768xf32, #tpu.memory_space<vmem>>
    %dma_start3A_215 = arith.constant 0 : i32
    %dma_start3A_216 = tpu.memref_slice %arg4[%select_n3A, %add3A_208, %dma_start3A_215] : memref<4x4096x768xf32, #tpu.memory_space<hbm>> -> memref<1x32x768xf32, #tpu.memory_space<hbm>>
    %dma_start3A_217 = tpu.memref_squeeze %dma_start3A_216 : memref<1x32x768xf32, #tpu.memory_space<hbm>> -> memref<32x768xf32, #tpu.memory_space<hbm>>
    %dma_start3A_218 = tpu.memref_slice %arg8[%dma_start3A_210] : memref<4x!tpu.dma_semaphore, #tpu.memory_space<semaphore_mem>> -> memref<1x!tpu.dma_semaphore, #tpu.memory_space<semaphore_mem>>
    %dma_start3A_219 = tpu.memref_squeeze %dma_start3A_218 : memref<1x!tpu.dma_semaphore, #tpu.memory_space<semaphore_mem>> -> memref<!tpu.dma_semaphore, #tpu.memory_space<semaphore_mem>>
    %dma_start3A_220 = arith.constant 0 : i32
    %dma_start3A_221 = tpu.memref_slice %arg4[%select_n3A, %add3A_208, %dma_start3A_220] : memref<4x4096x768xf32, #tpu.memory_space<hbm>> -> memref<1x32x768xf32, #tpu.memory_space<hbm>>
    %dma_start3A_222 = tpu.memref_squeeze %dma_start3A_221 : memref<1x32x768xf32, #tpu.memory_space<hbm>> -> memref<32x768xf32, #tpu.memory_space<hbm>>
    %dma_start3A_223 = arith.constant 0 : i32
    %dma_start3A_224 = arith.constant 0 : i32
    %dma_start3A_225 = tpu.memref_slice %arg6[%dma_start3A_209, %dma_start3A_223, %dma_start3A_224] : memref<4x32x768xf32, #tpu.memory_space<vmem>> -> memref<1x32x768xf32, #tpu.memory_space<vmem>>
    %dma_start3A_226 = tpu.memref_squeeze %dma_start3A_225 : memref<1x32x768xf32, #tpu.memory_space<vmem>> -> memref<32x768xf32, #tpu.memory_space<vmem>>
    tpu.enqueue_dma source(%dma_start3A_226 : memref<32x768xf32, #tpu.memory_space<vmem>>) target(%dma_start3A_222 : memref<32x768xf32, #tpu.memory_space<hbm>>) target_semaphore(%dma_start3A_219 : memref<!tpu.dma_semaphore, #tpu.memory_space<semaphore_mem>>)
    %add3A_227 = arith.constant 448 : i32
    %add3A_228 = arith.addi %mul3A_32, %add3A_227 : i32
    %dma_wait3A_229 = arith.constant 2 : i32
    %dma_wait3A_230 = arith.constant 2 : i32
    %dma_wait3A_231 = arith.constant 0 : i32
    %dma_wait3A_232 = arith.constant 0 : i32
    %dma_wait3A_233 = tpu.memref_slice %arg6[%dma_wait3A_229, %dma_wait3A_231, %dma_wait3A_232] : memref<4x32x768xf32, #tpu.memory_space<vmem>> -> memref<1x32x768xf32, #tpu.memory_space<vmem>>
    %dma_wait3A_234 = tpu.memref_squeeze %dma_wait3A_233 : memref<1x32x768xf32, #tpu.memory_space<vmem>> -> memref<32x768xf32, #tpu.memory_space<vmem>>
    %dma_wait3A_235 = arith.constant 0 : i32
    %dma_wait3A_236 = tpu.memref_slice %arg4[%select_n3A, %add3A_228, %dma_wait3A_235] : memref<4x4096x768xf32, #tpu.memory_space<hbm>> -> memref<1x32x768xf32, #tpu.memory_space<hbm>>
    %dma_wait3A_237 = tpu.memref_squeeze %dma_wait3A_236 : memref<1x32x768xf32, #tpu.memory_space<hbm>> -> memref<32x768xf32, #tpu.memory_space<hbm>>
    %dma_wait3A_238 = tpu.memref_slice %arg8[%dma_wait3A_230] : memref<4x!tpu.dma_semaphore, #tpu.memory_space<semaphore_mem>> -> memref<1x!tpu.dma_semaphore, #tpu.memory_space<semaphore_mem>>
    %dma_wait3A_239 = tpu.memref_squeeze %dma_wait3A_238 : memref<1x!tpu.dma_semaphore, #tpu.memory_space<semaphore_mem>> -> memref<!tpu.dma_semaphore, #tpu.memory_space<semaphore_mem>>
    %dma_wait3A_240 = arith.constant 0 : i32
    %dma_wait3A_241 = tpu.memref_slice %arg4[%select_n3A, %add3A_228, %dma_wait3A_240] : memref<4x4096x768xf32, #tpu.memory_space<hbm>> -> memref<1x32x768xf32, #tpu.memory_space<hbm>>
    %dma_wait3A_242 = tpu.memref_squeeze %dma_wait3A_241 : memref<1x32x768xf32, #tpu.memory_space<hbm>> -> memref<32x768xf32, #tpu.memory_space<hbm>>
    %dma_wait3A_243 = arith.constant 0 : i32
    %dma_wait3A_244 = arith.constant 0 : i32
    %dma_wait3A_245 = tpu.memref_slice %arg6[%dma_wait3A_229, %dma_wait3A_243, %dma_wait3A_244] : memref<4x32x768xf32, #tpu.memory_space<vmem>> -> memref<1x32x768xf32, #tpu.memory_space<vmem>>
    %dma_wait3A_246 = tpu.memref_squeeze %dma_wait3A_245 : memref<1x32x768xf32, #tpu.memory_space<vmem>> -> memref<32x768xf32, #tpu.memory_space<vmem>>
    tpu.wait_dma2 semaphore(%dma_wait3A_239 : memref<!tpu.dma_semaphore, #tpu.memory_space<semaphore_mem>>) src(%dma_wait3A_246 : memref<32x768xf32, #tpu.memory_space<vmem>>) dst(%dma_wait3A_242 : memref<32x768xf32, #tpu.memory_space<hbm>>)
    %dma_wait3A_247 = arith.constant 3 : i32
    %dma_wait3A_248 = arith.constant 3 : i32
    %dma_wait3A_249 = arith.constant 0 : i32
    %dma_wait3A_250 = arith.constant 0 : i32
    %dma_wait3A_251 = tpu.memref_slice %arg6[%dma_wait3A_247, %dma_wait3A_249, %dma_wait3A_250] : memref<4x32x768xf32, #tpu.memory_space<vmem>> -> memref<1x32x768xf32, #tpu.memory_space<vmem>>
    %dma_wait3A_252 = tpu.memref_squeeze %dma_wait3A_251 : memref<1x32x768xf32, #tpu.memory_space<vmem>> -> memref<32x768xf32, #tpu.memory_space<vmem>>
    %dma_wait3A_253 = arith.constant 480 : i32
    %dma_wait3A_254 = tpu.memref_slice %arg5[%dma_wait3A_253] : memref<512xi32, #tpu.memory_space<vmem>> -> memref<32xi32, #tpu.memory_space<vmem>>
    %dma_wait3A_255 = arith.constant 0 : i32
    %dma_wait3A_256 = arith.constant 0 : i32
    %dma_wait3A_257 = tpu.memref_slice %arg3[%dma_wait3A_255, %dma_wait3A_256] : memref<30000x768xf32, #tpu.memory_space<hbm>> -> memref<30000x768xf32, #tpu.memory_space<hbm>>
    %dma_wait3A_258 = tpu.memref_slice %arg7[%dma_wait3A_248] : memref<4x!tpu.dma_semaphore, #tpu.memory_space<semaphore_mem>> -> memref<1x!tpu.dma_semaphore, #tpu.memory_space<semaphore_mem>>
    %dma_wait3A_259 = tpu.memref_squeeze %dma_wait3A_258 : memref<1x!tpu.dma_semaphore, #tpu.memory_space<semaphore_mem>> -> memref<!tpu.dma_semaphore, #tpu.memory_space<semaphore_mem>>
    tpu.wait_indirect_dma semaphore(%dma_wait3A_259 : memref<!tpu.dma_semaphore, #tpu.memory_space<semaphore_mem>>) src(%dma_wait3A_257 : memref<30000x768xf32, #tpu.memory_space<hbm>>) dst(%dma_wait3A_252 : memref<32x768xf32, #tpu.memory_space<vmem>>)
    %add3A_260 = arith.constant 480 : i32
    %add3A_261 = arith.addi %mul3A_32, %add3A_260 : i32
    %dma_start3A_262 = arith.constant 3 : i32
    %dma_start3A_263 = arith.constant 3 : i32
    %dma_start3A_264 = arith.constant 0 : i32
    %dma_start3A_265 = arith.constant 0 : i32
    %dma_start3A_266 = tpu.memref_slice %arg6[%dma_start3A_262, %dma_start3A_264, %dma_start3A_265] : memref<4x32x768xf32, #tpu.memory_space<vmem>> -> memref<1x32x768xf32, #tpu.memory_space<vmem>>
    %dma_start3A_267 = tpu.memref_squeeze %dma_start3A_266 : memref<1x32x768xf32, #tpu.memory_space<vmem>> -> memref<32x768xf32, #tpu.memory_space<vmem>>
    %dma_start3A_268 = arith.constant 0 : i32
    %dma_start3A_269 = tpu.memref_slice %arg4[%select_n3A, %add3A_261, %dma_start3A_268] : memref<4x4096x768xf32, #tpu.memory_space<hbm>> -> memref<1x32x768xf32, #tpu.memory_space<hbm>>
    %dma_start3A_270 = tpu.memref_squeeze %dma_start3A_269 : memref<1x32x768xf32, #tpu.memory_space<hbm>> -> memref<32x768xf32, #tpu.memory_space<hbm>>
    %dma_start3A_271 = tpu.memref_slice %arg8[%dma_start3A_263] : memref<4x!tpu.dma_semaphore, #tpu.memory_space<semaphore_mem>> -> memref<1x!tpu.dma_semaphore, #tpu.memory_space<semaphore_mem>>
    %dma_start3A_272 = tpu.memref_squeeze %dma_start3A_271 : memref<1x!tpu.dma_semaphore, #tpu.memory_space<semaphore_mem>> -> memref<!tpu.dma_semaphore, #tpu.memory_space<semaphore_mem>>
    %dma_start3A_273 = arith.constant 0 : i32
    %dma_start3A_274 = tpu.memref_slice %arg4[%select_n3A, %add3A_261, %dma_start3A_273] : memref<4x4096x768xf32, #tpu.memory_space<hbm>> -> memref<1x32x768xf32, #tpu.memory_space<hbm>>
    %dma_start3A_275 = tpu.memref_squeeze %dma_start3A_274 : memref<1x32x768xf32, #tpu.memory_space<hbm>> -> memref<32x768xf32, #tpu.memory_space<hbm>>
    %dma_start3A_276 = arith.constant 0 : i32
    %dma_start3A_277 = arith.constant 0 : i32
    %dma_start3A_278 = tpu.memref_slice %arg6[%dma_start3A_262, %dma_start3A_276, %dma_start3A_277] : memref<4x32x768xf32, #tpu.memory_space<vmem>> -> memref<1x32x768xf32, #tpu.memory_space<vmem>>
    %dma_start3A_279 = tpu.memref_squeeze %dma_start3A_278 : memref<1x32x768xf32, #tpu.memory_space<vmem>> -> memref<32x768xf32, #tpu.memory_space<vmem>>
    tpu.enqueue_dma source(%dma_start3A_279 : memref<32x768xf32, #tpu.memory_space<vmem>>) target(%dma_start3A_275 : memref<32x768xf32, #tpu.memory_space<hbm>>) target_semaphore(%dma_start3A_272 : memref<!tpu.dma_semaphore, #tpu.memory_space<semaphore_mem>>)
    %add3A_280 = arith.constant 480 : i32
    %add3A_281 = arith.addi %mul3A_32, %add3A_280 : i32
    %dma_wait3A_282 = arith.constant 3 : i32
    %dma_wait3A_283 = arith.constant 3 : i32
    %dma_wait3A_284 = arith.constant 0 : i32
    %dma_wait3A_285 = arith.constant 0 : i32
    %dma_wait3A_286 = tpu.memref_slice %arg6[%dma_wait3A_282, %dma_wait3A_284, %dma_wait3A_285] : memref<4x32x768xf32, #tpu.memory_space<vmem>> -> memref<1x32x768xf32, #tpu.memory_space<vmem>>
    %dma_wait3A_287 = tpu.memref_squeeze %dma_wait3A_286 : memref<1x32x768xf32, #tpu.memory_space<vmem>> -> memref<32x768xf32, #tpu.memory_space<vmem>>
    %dma_wait3A_288 = arith.constant 0 : i32
    %dma_wait3A_289 = tpu.memref_slice %arg4[%select_n3A, %add3A_281, %dma_wait3A_288] : memref<4x4096x768xf32, #tpu.memory_space<hbm>> -> memref<1x32x768xf32, #tpu.memory_space<hbm>>
    %dma_wait3A_290 = tpu.memref_squeeze %dma_wait3A_289 : memref<1x32x768xf32, #tpu.memory_space<hbm>> -> memref<32x768xf32, #tpu.memory_space<hbm>>
    %dma_wait3A_291 = tpu.memref_slice %arg8[%dma_wait3A_283] : memref<4x!tpu.dma_semaphore, #tpu.memory_space<semaphore_mem>> -> memref<1x!tpu.dma_semaphore, #tpu.memory_space<semaphore_mem>>
    %dma_wait3A_292 = tpu.memref_squeeze %dma_wait3A_291 : memref<1x!tpu.dma_semaphore, #tpu.memory_space<semaphore_mem>> -> memref<!tpu.dma_semaphore, #tpu.memory_space<semaphore_mem>>
    %dma_wait3A_293 = arith.constant 0 : i32
    %dma_wait3A_294 = tpu.memref_slice %arg4[%select_n3A, %add3A_281, %dma_wait3A_293] : memref<4x4096x768xf32, #tpu.memory_space<hbm>> -> memref<1x32x768xf32, #tpu.memory_space<hbm>>
    %dma_wait3A_295 = tpu.memref_squeeze %dma_wait3A_294 : memref<1x32x768xf32, #tpu.memory_space<hbm>> -> memref<32x768xf32, #tpu.memory_space<hbm>>
    %dma_wait3A_296 = arith.constant 0 : i32
    %dma_wait3A_297 = arith.constant 0 : i32
    %dma_wait3A_298 = tpu.memref_slice %arg6[%dma_wait3A_282, %dma_wait3A_296, %dma_wait3A_297] : memref<4x32x768xf32, #tpu.memory_space<vmem>> -> memref<1x32x768xf32, #tpu.memory_space<vmem>>
    %dma_wait3A_299 = tpu.memref_squeeze %dma_wait3A_298 : memref<1x32x768xf32, #tpu.memory_space<vmem>> -> memref<32x768xf32, #tpu.memory_space<vmem>>
    tpu.wait_dma2 semaphore(%dma_wait3A_292 : memref<!tpu.dma_semaphore, #tpu.memory_space<semaphore_mem>>) src(%dma_wait3A_299 : memref<32x768xf32, #tpu.memory_space<vmem>>) dst(%dma_wait3A_295 : memref<32x768xf32, #tpu.memory_space<hbm>>)
    return
  }
}

</mosaic_0001>

<sc_bundles>
// kernel: kernel.3.cloned.1.call-start
scs
__scs_entry_jumppad:
0x0: {  	(pc) =	sbr.rel $0x88, $3  }
0x1: {  	(tag) =	ssettag $0x0;
	lr =	simm.s32 $0x1  }
0x2: {  	[smem:$0x3F9F] =	sst lr;
	_ =	strace $0xD0000000  }
0x3: {  	_ = 	snop  }
0x4: {  	_ = 	snop  }
0x5: {  	_ = 	snop  }
0x6: {  	_ = 	snop  }
0x7: {  	_ = 	snop  }
__scs_overlays_trampoline_lowered:
0x8: {  	[smem:$0x3FAE] =	sst s0  }
0x9: {  	[smem:$0x3FAF] =	sst s1  }
0xa: {  	[smem:$0x3FB0] =	sst s2  }
0xb: {  	[smem:$0x3FB1] =	sst s3  }
0xc: {  	[smem:$0x3FB2] =	sst s4  }
0xd: {  	[smem:$0x3FB3] =	sst s5  }
0xe: {  	[smem:$0x3FB4] =	sst s6  }
0xf: {  	[smem:$0x3FB5] =	sst s7  }
0x10: {  	[smem:$0x3FB6] =	sst s8  }
0x11: {  	[smem:$0x3FB7] =	sst s9;
	s0 =	simm.s32 @!p0 $0x0  }
0x12: {  	s1 =	sld [smem:$0x3F9D];
	s0 =	simm.s32 @p0 $0x1  }
0x13: {  	[smem:$0x3FB8] =	sst s0;
	s0 =	simm.s32 @!p1 $0x0  }
0x14: {  	s2 =	sld [smem:$0x3F9C];
	s0 =	simm.s32 @p1 $0x1  }
0x15: {  	[smem:$0x3FB9] =	sst s0;
	s0 =	simm.s32 @!p2 $0x0  }
0x16: {  	s3 =	sld [smem:$0x3FDB];
	s0 =	simm.s32 @p2 $0x1  }
0x17: {  	s4 =	simm.s32 $0x1BF5;
	[smem:$0x3FBB] =	sst s0  }
0x18: {  	s0 =	sld [smem:$0x3F9E];
	_ =	swait.ge [sflag:s4], $0x0  }
0x19: {  	s7 =	sld [smem:$0x3F9F]  }
0x1a: {  	s8 =	sadd.s32 $0xFFFFE003, lr  }
0x1b: {  	s9 =	sadd.s32 $0xFFFFFEF7, lr;
	s5 =	simm.s32 $0xFFFFFFFF;
	p2 =	slt.u32 s8, $0xFFFFF086  }
0x1c: {  	p1 =	slt.u32 s9, $0xF7A;
	s5 =	simm.s32 @!p2 $0x0  }
0x1d: {  	s5 =	simm.s32 @p1 $0x1;
	p0 =	seq.s32 s7, s2  }
0x1e: {  	s7 =	smul.u32 @!p0 $0xF7A, s2;
	p2 =	seq.s32 @!p0 s5, $0x0  }
0x1f: {  	s9 =	smul.u32 $0xF7A, s1;
	s8 =	simm.s32 @!p0 $0x1BF5;
	p2 =	por !p2, p0  }
0x20: {  	[sflag:s8] =	ssyncset.s32 @!p0 $0xFFFFF086;
	s6 =	sadd.s32 @!p0 s3, s7;
	s7 =	simm.s32 @!p0 $0x108  }
0x21: {  	s3 =	sadd.s32 s3, s9;
	s6 =	sadd.s32 @!p0 $0x88, s6;
	s7 =	simm.s32 @p2 $0x1082  }
0x22: {  	[simem:s7], [sflag:s8] =	dma.local @!p0 [hbm:s6], $0xF7A  }
0x23: {  	s9 =	sor.u32 $0xD0000000, s2;
	s6 =	simm.s32 $0x108;
	_ =	swait.ge @!p0 [sflag:s8], $0x0  }
0x24: {  	s3 =	sadd.s32 $0x88, s3;
	s6 =	simm.s32 @!p1 $0x1082;
	[sflag:s4] =	ssyncset.s32 $0xFFFFF086  }
0x25: {  	[simem:s6], [sflag:s4] =	dma.local [hbm:s3], $0xF7A  }
0x26: {  	[smem:$0x3F9F] =	sst s1;
	(tag) =	ssettag s2;
	_ =	strace s9  }
0x27: {  	s1 =	sld [smem:$0x3FAF]  }
0x28: {  	s2 =	sld [smem:$0x3FB0]  }
0x29: {  	s4 =	sld [smem:$0x3FB2]  }
0x2a: {  	p0 =	seq.s32 s5, $0x0;
	s5 =	sld [smem:$0x3FB3]  }
0x2b: {  	s6 =	sld [smem:$0x3FB4]  }
0x2c: {  	s7 =	sld [smem:$0x3FB5]  }
0x2d: {  	s3 =	simm.s32 $0x108;
	s8 =	sld [smem:$0x3FB6]  }
0x2e: {  	s3 =	simm.s32 @!p0 $0x1082;
	s9 =	sld [smem:$0x3FB7]  }
0x2f: {  	lr =	sadd.s32 s0, s3;
	s0 =	sld [smem:$0x3FAE]  }
0x30: {  	s3 =	sld [smem:$0x3FB1]  }
0x31: {  	[smem:$0x3FBA] =	sst s10  }
0x32: {  	s10 =	sld [smem:$0x3FB8];
	_ =	sdelay $0x3  }
0x33: {  	p0 =	seq.s32 s10, $0x1;
	s10 =	sld [smem:$0x3FBA];
	_ =	sdelay $0x3  }
0x34: {  	[smem:$0x3FBA] =	sst s10  }
0x35: {  	s10 =	sld [smem:$0x3FB9];
	_ =	sdelay $0x3  }
0x36: {  	p1 =	seq.s32 s10, $0x1;
	s10 =	sld [smem:$0x3FBA];
	_ =	sdelay $0x3  }
0x37: {  	[smem:$0x3FBA] =	sst s10  }
0x38: {  	s10 =	sld [smem:$0x3FBB]  }
0x39: {  	_ = 	snop;
	(pc) =	sbr.ind lr, $3  }
0x3a: {  	_ = 	snop  }
0x3b: {  	_ = 	snop  }
0x3c: {  	p2 =	seq.s32 s10, $0x1;
	s10 =	sld [smem:$0x3FBA]  }
0x3d: {  	_ =	shalt  }
0x3e: {  	_ =	shalt  }
0x3f: {  	_ =	shalt  }
0x40: {  	_ =	shalt  }
0x41: {  	_ =	shalt  }
0x42: {  	_ =	shalt  }
0x43: {  	_ =	shalt  }
0x44: {  	_ =	shalt  }
0x45: {  	_ =	shalt  }
0x46: {  	_ =	shalt  }
0x47: {  	_ =	shalt  }
0x48: {  	_ =	shalt  }
0x49: {  	_ =	shalt  }
0x4a: {  	_ =	shalt  }
0x4b: {  	_ =	shalt  }
0x4c: {  	_ =	shalt  }
0x4d: {  	_ =	shalt  }
0x4e: {  	_ =	shalt  }
0x4f: {  	_ =	shalt  }
0x50: {  	_ =	shalt  }
0x51: {  	_ =	shalt  }
0x52: {  	_ =	shalt  }
0x53: {  	_ =	shalt  }
0x54: {  	_ =	shalt  }
0x55: {  	_ =	shalt  }
0x56: {  	_ =	shalt  }
0x57: {  	_ =	shalt  }
0x58: {  	_ =	shalt  }
0x59: {  	_ =	shalt  }
0x5a: {  	_ =	shalt  }
0x5b: {  	_ =	shalt  }
0x5c: {  	_ =	shalt  }
0x5d: {  	_ =	shalt  }
0x5e: {  	_ =	shalt  }
0x5f: {  	_ =	shalt  }
0x60: {  	_ =	shalt  }
0x61: {  	_ =	shalt  }
0x62: {  	_ =	shalt  }
0x63: {  	_ =	shalt  }
0x64: {  	_ =	shalt  }
0x65: {  	_ =	shalt  }
0x66: {  	_ =	shalt  }
0x67: {  	_ =	shalt  }
0x68: {  	_ =	shalt  }
0x69: {  	_ =	shalt  }
0x6a: {  	_ =	shalt  }
0x6b: {  	_ =	shalt  }
0x6c: {  	_ =	shalt  }
0x6d: {  	_ =	shalt  }
0x6e: {  	_ =	shalt  }
0x6f: {  	_ =	shalt  }
0x70: {  	_ =	shalt  }
0x71: {  	_ =	shalt  }
0x72: {  	_ =	shalt  }
0x73: {  	_ =	shalt  }
0x74: {  	_ =	shalt  }
0x75: {  	_ =	shalt  }
0x76: {  	_ =	shalt  }
0x77: {  	_ =	shalt  }
0x78: {  	_ =	shalt  }
0x79: {  	_ =	shalt  }
0x7a: {  	_ =	shalt  }
0x7b: {  	_ =	shalt  }
0x7c: {  	_ =	shalt  }
0x7d: {  	_ =	shalt  }
0x7e: {  	_ =	shalt  }
0x7f: {  	_ =	shalt  }
0x80: {  	_ =	shalt  }
0x81: {  	_ =	shalt  }
0x82: {  	_ =	shalt  }
0x83: {  	_ =	shalt  }
0x84: {  	_ =	shalt  }
0x85: {  	_ =	shalt  }
0x86: {  	_ =	shalt  }
0x87: {  	_ =	shalt  }
.Lfunc_end0:
.L_simem_size_0:
called_computation_lowered:
.L_overlay_start_0:
0x88: {  	s2 =	sld [smem:$0x3FD9]  }
0x89: {  	s3 =	sld [smem:$0x3FFE];
	_ =	sdelay $0x1  }
0x8a: {  	s1 =	srdreg.scid  }
0x8b: {  	s0 =	sand.u32 $0x1, s1  }
0x8c: {  	s18 =	sshll.u32 s0, $0xA;
	s2 =	sadd.s32 s3, s2  }
0x8d: {  	s2 =	sadd.s32 s2, s18  }
0x8e: {  	[smem:$0x3FC6] =	sst s2  }
0x8f: {  	_ = 	snop  }
0x90: {  	s2 =	sld [smem:$0x3FC9]  }
0x91: {  	s19 =	sld [smem:$0x3FC8]  }
0x92: {  	s4 =	sld [smem:$0x3FD0];
	(tm) =	ssettm $0x1  }
0x93: {  	s5 =	sld [smem:$0x3FFB];
	_ =	sdelay $0x3  }
0x94: {  	_ =	strace s5  }
0x95: {  	s5 =	sld [smem:$0x3FFC];
	_ =	sdelay $0x3  }
0x96: {  	_ =	strace s5  }
0x97: {  	s5 =	sld [smem:$0x3FFD];
	_ =	sdelay $0x3  }
0x98: {  	_ =	strace s5  }
0x99: {  	_ =	strace $0x8FFFFFFF  }
0x9a: {  	s20 =	sld [smem:$0x3FDB];
	_ =	sdelay $0x1  }
0x9b: {  	s6 =	simm.s32 $_scs_section_size  }
0x9c: {  	s7 =	simm.s32 $_size__tile_overlayer_lowered;
	s8 =	simm.s32 $_tile_overlayer_lowered  }
0x9d: {  	s23 =	simm.s32 $0x1BFF;
	s22 =	sshll.u32 s8, $0x1;
	s5 =	sadd.s32 s6, s20  }
0x9e: {  	s9 =	simm.s32 $0x0;
	s21 =	sshll.u32 s7, $0x1;
	s7 =	sadd.s32 s22, s5  }
0x9f: {  	[timem:s9], [sflag:s23] =	dma.local [hbm:s7], s21  }
0xa0: {  	_ =	swait.ge [sflag:s23], s21  }
0xa1: {  	s6 =	ssub.s32 $0x0, s21;
	[sflag:s23] =	ssyncset.done $0x0  }
0xa2: {  	[sflag:s23] =	ssyncadd.s32 s6;
	_ =	sdelay $0x1  }
0xa3: {  	s24 =	simm.s32 $0x1B8B  }
0xa4: {  	_ =	swait.ge [sflag:s24], $0x1  }
0xa5: {  	[sflag:s24] =	ssyncset.done $0x0  }
0xa6: {  	s25 =	simm.s32 $0x1B8E;
	[sflag:s24] =	ssyncadd.s32 $0xFFFFFFFF  }
0xa7: {  	s26 =	simm.s32 $execute0_lowered;
	[smem:$0x3FD2] =	sst s25  }
0xa8: {  	s6 =	sshll.u32 s26, $0x1;
	_ =	strace $0x80000046;
	[dreg:$0x1] =	wrdreg $0xFFFFFFFF  }
0xa9: {  	s28 =	simm.s32 $_size_execute0_lowered;
	s5 =	sadd.s32 s5, s6;
	[dreg:$0x0] =	wrdreg $0x0  }
0xaa: {  	s6 =	sshll.u32 s28, $0x1;
	[dreg:$0x2] =	wrdreg s5  }
0xab: {  	[dreg:$0x3] =	wrdreg s6  }
0xac: {  	[dreg:$0x4] =	wrdreg $0xC0  }
0xad: {  	_ =	task [dreg:s9], $0x5FFFF  }
0xae: {  	[dreg:$0x1] =	wrdreg $0xFFFFFFFF  }
0xaf: {  	[dreg:$0x0] =	wrdreg $0x60  }
0xb0: {  	[dreg:$0x2] =	wrdreg s2  }
0xb1: {  	[dreg:$0x3] =	wrdreg s19  }
0xb2: {  	[dreg:$0x4] =	wrdreg s4  }
0xb3: {  	[dreg:$0x5] =	wrdreg $0x9  }
0xb4: {  	_ =	task.clear_ibuf [dreg:s9], $0x6FFFF;
	_ =	strace $0x90000046  }
0xb5: {  	s29 =	simm.s32 $0x9;
	_ =	strace $0x80000048  }
0xb6: {  	_ =	swait.ge [sflag:s29], $0x1  }
0xb7: {  	[sflag:s29] =	ssyncadd.s32 $0xFFFFFFFF  }
0xb8: {  	_ =	strace $0x90000048  }
0xb9: {  	_ =	sfence  }
0xba: {  	s30 =	sld [smem:$0x0];
	_ =	sdelay $0x2  }
0xbb: {  	s31 =	sshll.u32 s1, $0xD;
	s1 =	sshrl.u32 s1, $0x2  }
0xbc: {  	s3 =	sand.u32 $0x4000, s31;
	s1 =	sadd.s32 s1, s30  }
0xbd: {  	s0 =	sor.u32 s3, s0;
	s1 =	sshll.u32 s1, $0x11  }
0xbe: {  	s0 =	sor.u32 s1, s0  }
0xbf: {  	s0 =	sadd.s32 $0x8F2B, s0  }
0xc0: {  	[sflag:s0] =	ssyncadd.remote.s32 $0x1  }
0xc1: {  	_ =	sfence.sel $0xFFFF  }
0xc2: {  	[dreg:$0x0] =	wrdreg $0xFFFFFFFF;
	(pc) =	sbr.abs _section_cstart, $3  }
0xc3: {  	[dreg:$0x1] =	wrdreg $0xFFFFFFFF  }
0xc4: {  	_ =	task.clear_ibuf [dreg:s9], $0x2FFFF;
	_ =	strace $0x9FFFFFFF  }
0xc5: {  	(tm) =	ssettm $0x7FFFFFFF  }
tec
execute0_lowered:
.L_overlay_start_1:
0x0: {  	(tag) =	ssettag $0x1  }
0x1: {  	s0 =	srdreg.scid  }
0x2: {  	s2 =	stileid.u32;
	s7 =	rddreg [dreg:$0x0]  }
0x3: {  	s4 =	simm.s32 $0x1;
	s3 =	rddreg [dreg:$0x2];
	s31 =	simm.s32 $0xA00  }
0x4: {  	s11 =	simm.s32 $0x1A00;
	s12 =	simm.s32 $0x2200;
	s13 =	simm.s32 $0x2A00  }
0x5: {  	s14 =	simm.s32 $0x3200;
	s17 =	simm.s32 $0x3A00;
	s29 =	simm.s32 $0x5A00  }
0x6: {  	s18 =	simm.s32 $0x6200;
	s30 =	simm.s32 $0x6A00;
	s0 =	sand.u32 $0x1, s0  }
0x7: {  	s28 =	simm.s32 $0x8;
	s5 =	sand.u32 $0x7, s2;
	s1 =	sshll.u32 s0, $0x4  }
0x8: {  	s15 =	simm.s32 $0x0;
	p1 =	sne.s32 s5, $0x0;
	s1 =	sor.u32 s2, s1  }
0x9: {  	s0 =	ssub.s32 $0x2, s0;
	s8 =	sshll.u32 s5, $0xB;
	p0 =	seq.s32 s1, $0x0  }
0xa: {  	s5 =	smul.u32 $0x60000, s5;
	s2 =	rddreg [dreg:$0x1];
	p0 =	por !p1, !p0  }
0xb: {  	s20 =	sshrl.u32 s0, $0x1;
	s1 =	sshrl.u32 s1, $0x3;
	p0 =	por !p0, !p0  }
0xc: {  	s0 =	ssub.s32 s0, s20;
	s20 =	simm.s32 $0x4A00;
	s4 =	simm.s32 @!p0 $0x0  }
0xd: {  	s0 =	smax.u32 s0, $0x1;
	s1 =	ssub.s32 s1, s4;
	s4 =	simm.s32 $0x0  }
0xe: {  	s6 =	sshll.u32 s1, $0xC;
	[smem:$0x7FF] =	sst s4;
	s9 =	sshll.u32 s1, $0x7  }
0xf: {  	s1 =	smul.u32 $0x300000, s1;
	s6 =	sand.u32 $0xFFFFC000, s6;
	s19 =	sand.u32 $0x180, s9  }
0x10: {  	_ =	strace $0x80000047;
	s9 =	sadd.s32 $0x200, s2;
	s6 =	sor.u32 s8, s6  }
0x11: {  	[dreg:$0x9] =	wrdreg s0;
	s5 =	sadd.s32 s5, s1;
	s6 =	sor.u32 s19, s6  }
0x12: {  	s22 =	sadd.s32 $0x48000, s5;
	s23 =	sadd.s32 $0x4E000, s5;
	s24 =	sadd.s32 $0x54000, s5  }
0x13: {  	[dreg:$0xa] =	wrdreg s5;
	s10 =	sadd.s32 $0x5A000, s5;
	s19 =	simm.s32 $0x4200  }
0x14: {  	s5 =	simm.s32 $0x5200;
	s8 =	sshrl.u32 s6, $0x3;
	s6 =	simm.s32 $0x1  }
0x15: {  	s1 =	sshrl.u32 s22, $0x3;
	s26 =	sshrl.u32 s10, $0x3;
	s10 =	simm.s32 $0x1200  }
0x16: {  	s22 =	simm.s32 $0x2;
	s21 =	sadd.s32 s7, s8;
	s8 =	sadd.s32 $0x100, s2  }
0x17: {  	s1 =	sadd.s32 s3, s1;
	s7 =	sshrl.u32 s24, $0x3;
	[dreg:$0x4] =	wrdreg s21  }
0x18: {  	s24 =	simm.s32 $0x3;
	[dreg:$0x5] =	wrdreg s1;
	s1 =	sshrl.u32 s23, $0x3  }
0x19: {  	s25 =	sadd.s32 s3, s7;
	s7 =	simm.s32 $0xC200;
	s21 =	simm.s32 $0x5  }
0x1a: {  	v2 =	vlaneseq.u32;
	s23 =	simm.s32 $0x6;
	s1 =	sadd.s32 s3, s1;
	[dreg:$0x7] =	wrdreg s25  }
0x1b: {  	vm0 =	vmmov $0xffff;
	v1 =	vshrl.u32 v2, $0x3;
	s25 =	simm.s32 $0x7;
	[dreg:$0x6] =	wrdreg s1;
	s1 =	sadd.s32 s3, s26  }
0x1c: {  	v0 =	vand.u32 $0x7, v2;
	v2 =	vor.u32 $0x8, v2;
	v1 =	vmul.u32 $0x8, v1;
	s26 =	simm.s32 $0x4;
	[dreg:$0x8] =	wrdreg s1;
	s1 =	simm.s32 $0x12200  }
.LBB2_1:
0x1d: {  	[dreg:$0xb] =	wrdreg s15  }
0x1e: {  	s0 =	rddreg [dreg:$0x4];
	s15 =	simm.s32 $0x80;
	s16 =	simm.s32 $0x200  }
0x1f: {  	[tilespmem:s4], [sflag:$0x9] =	stream.strided.gather [hbm4b:s0+s15], $0x200, s16, s15, $0x38;
	[tilespmem:$0x18200] =	vst v63  }
0x20: {  	s15 =	simm.s32 $0x9  }
0x21: {  	_ =	swait.ge [sflag:s15], $0x200  }
0x22: {  	[sflag:s15] =	ssyncset.done $0x0  }
0x23: {  	[sflag:s15] =	ssyncadd.s32 $0xFFFFFE00  }
0x24: {  	v3 =	vld [tilespmem:$0x0];
	_ =	sdelay $0x4  }
0x25: {  	v4 =	vshrl.u32 v3, $0x3  }
0x26: {  	v4 =	vmul.u32 $0x30, v4  }
0x27: {  	v3 =	vand.u32 $0x7, v3  }
0x28: {  	v3 =	vor.u32 v3, v4  }
0x29: {  	v4 =	vperm.xlane v3, v0;
	_ =	sdelay $0x1  }
0x2a: {  	v4 =	vadd.s32 v1, v4;
	_ =	sdelay $0x3  }
0x2b: {  	v3 =	vperm.xlane v3, v2  }
0x2c: {  	[tilespmem:s16], [sflag:$0x1] =	stream.indirect_vreg.gather [hbm4b:s2+s4], $0x80, v4, vm0, $0xb8;
	[tilespmem:$0x18200] =	vst v63  }
0x2d: {  	v3 =	vadd.s32 v1, v3  }
0x2e: {  	[tilespmem:s31], [sflag:$0x1] =	stream.indirect_vreg.gather [hbm4b:s8+s4], $0x80, v4, vm0, $0xb8;
	[tilespmem:$0x18200] =	vst v63  }
0x2f: {  	_ = 	snop  }
0x30: {  	[tilespmem:s10], [sflag:$0x1] =	stream.indirect_vreg.gather [hbm4b:s9+s4], $0x80, v4, vm0, $0xb8;
	[tilespmem:$0x18200] =	vst v63  }
0x31: {  	_ = 	snop  }
0x32: {  	[tilespmem:s11], [sflag:$0x1] =	stream.indirect_vreg.gather [hbm4b:s2+s4], $0x80, v3, vm0, $0xb8;
	[tilespmem:$0x18200] =	vst v63  }
0x33: {  	_ = 	snop  }
0x34: {  	[tilespmem:s12], [sflag:$0x1] =	stream.indirect_vreg.gather [hbm4b:s8+s4], $0x80, v3, vm0, $0xb8;
	[tilespmem:$0x18200] =	vst v63  }
0x35: {  	_ = 	snop  }
0x36: {  	[tilespmem:s13], [sflag:$0x1] =	stream.indirect_vreg.gather [hbm4b:s9+s4], $0x80, v3, vm0, $0xb8;
	[tilespmem:$0x18200] =	vst v63  }
0x37: {  	v3 =	vld [tilespmem:$0x10];
	_ =	sdelay $0x4  }
0x38: {  	v57 =	vshrl.u32 v3, $0x3  }
0x39: {  	v4 =	vmul.u32 $0x30, v57  }
0x3a: {  	v3 =	vand.u32 $0x7, v3  }
0x3b: {  	v3 =	vor.u32 v3, v4  }
0x3c: {  	v4 =	vperm.xlane v3, v0;
	_ =	sdelay $0x1  }
0x3d: {  	v4 =	vadd.s32 v1, v4;
	_ =	sdelay $0x3  }
0x3e: {  	v3 =	vperm.xlane v3, v2  }
0x3f: {  	[tilespmem:s14], [sflag:$0x1] =	stream.indirect_vreg.gather [hbm4b:s2+s4], $0x80, v4, vm0, $0xb8;
	[tilespmem:$0x18200] =	vst v63  }
0x40: {  	v3 =	vadd.s32 v1, v3  }
0x41: {  	[tilespmem:s17], [sflag:$0x1] =	stream.indirect_vreg.gather [hbm4b:s8+s4], $0x80, v4, vm0, $0xb8;
	[tilespmem:$0x18200] =	vst v63  }
0x42: {  	_ = 	snop  }
0x43: {  	[tilespmem:s19], [sflag:$0x1] =	stream.indirect_vreg.gather [hbm4b:s9+s4], $0x80, v4, vm0, $0xb8;
	[tilespmem:$0x18200] =	vst v63  }
0x44: {  	_ = 	snop  }
0x45: {  	[tilespmem:s20], [sflag:$0x1] =	stream.indirect_vreg.gather [hbm4b:s2+s4], $0x80, v3, vm0, $0xb8;
	[tilespmem:$0x18200] =	vst v63  }
0x46: {  	_ = 	snop  }
0x47: {  	[tilespmem:s5], [sflag:$0x1] =	stream.indirect_vreg.gather [hbm4b:s8+s4], $0x80, v3, vm0, $0xb8;
	[tilespmem:$0x18200] =	vst v63  }
0x48: {  	_ = 	snop  }
0x49: {  	[tilespmem:s29], [sflag:$0x1] =	stream.indirect_vreg.gather [hbm4b:s9+s4], $0x80, v3, vm0, $0xb8;
	[tilespmem:$0x18200] =	vst v63  }
0x4a: {  	v3 =	vld [tilespmem:$0x20];
	_ =	sdelay $0x4  }
0x4b: {  	v58 =	vshrl.u32 v3, $0x3  }
0x4c: {  	v4 =	vmul.u32 $0x30, v58  }
0x4d: {  	v3 =	vand.u32 $0x7, v3  }
0x4e: {  	v3 =	vor.u32 v3, v4  }
0x4f: {  	v4 =	vperm.xlane v3, v0;
	_ =	sdelay $0x1  }
0x50: {  	v4 =	vadd.s32 v1, v4;
	_ =	sdelay $0x3  }
0x51: {  	v3 =	vperm.xlane v3, v2  }
0x52: {  	[tilespmem:s18], [sflag:$0x2] =	stream.indirect_vreg.gather [hbm4b:s2+s4], $0x80, v4, vm0, $0xb8;
	[tilespmem:$0x18200] =	vst v63  }
0x53: {  	v3 =	vadd.s32 v1, v3  }
0x54: {  	[tilespmem:s30], [sflag:$0x2] =	stream.indirect_vreg.gather [hbm4b:s8+s4], $0x80, v4, vm0, $0xb8;
	[tilespmem:$0x18200] =	vst v63  }
0x55: {  	s20 =	simm.s32 $0x7200  }
0x56: {  	[tilespmem:s20], [sflag:$0x2] =	stream.indirect_vreg.gather [hbm4b:s9+s4], $0x80, v4, vm0, $0xb8;
	[tilespmem:$0x18200] =	vst v63  }
0x57: {  	s30 =	simm.s32 $0x7A00  }
0x58: {  	[tilespmem:s30], [sflag:$0x2] =	stream.indirect_vreg.gather [hbm4b:s2+s4], $0x80, v3, vm0, $0xb8;
	[tilespmem:$0x18200] =	vst v63  }
0x59: {  	s5 =	simm.s32 $0x8200  }
0x5a: {  	[tilespmem:s5], [sflag:$0x2] =	stream.indirect_vreg.gather [hbm4b:s8+s4], $0x80, v3, vm0, $0xb8;
	[tilespmem:$0x18200] =	vst v63  }
0x5b: {  	s10 =	simm.s32 $0x8A00  }
0x5c: {  	[tilespmem:s10], [sflag:$0x2] =	stream.indirect_vreg.gather [hbm4b:s9+s4], $0x80, v3, vm0, $0xb8;
	[tilespmem:$0x18200] =	vst v63  }
0x5d: {  	v3 =	vld [tilespmem:$0x30];
	_ =	sdelay $0x4  }
0x5e: {  	v59 =	vshrl.u32 v3, $0x3  }
0x5f: {  	v4 =	vmul.u32 $0x30, v59  }
0x60: {  	v3 =	vand.u32 $0x7, v3  }
0x61: {  	v3 =	vor.u32 v3, v4  }
0x62: {  	v4 =	vperm.xlane v3, v0;
	_ =	sdelay $0x1  }
0x63: {  	v4 =	vadd.s32 v1, v4;
	_ =	sdelay $0x3  }
0x64: {  	s11 =	simm.s32 $0x9200;
	v3 =	vperm.xlane v3, v2  }
0x65: {  	[tilespmem:s11], [sflag:$0x2] =	stream.indirect_vreg.gather [hbm4b:s2+s4], $0x80, v4, vm0, $0xb8;
	[tilespmem:$0x18200] =	vst v63  }
0x66: {  	s12 =	simm.s32 $0x9A00;
	v3 =	vadd.s32 v1, v3  }
0x67: {  	[tilespmem:s12], [sflag:$0x2] =	stream.indirect_vreg.gather [hbm4b:s8+s4], $0x80, v4, vm0, $0xb8;
	[tilespmem:$0x18200] =	vst v63  }
0x68: {  	s13 =	simm.s32 $0xA200  }
0x69: {  	[tilespmem:s13], [sflag:$0x2] =	stream.indirect_vreg.gather [hbm4b:s9+s4], $0x80, v4, vm0, $0xb8;
	[tilespmem:$0x18200] =	vst v63  }
0x6a: {  	s14 =	simm.s32 $0xAA00  }
0x6b: {  	[tilespmem:s14], [sflag:$0x2] =	stream.indirect_vreg.gather [hbm4b:s2+s4], $0x80, v3, vm0, $0xb8;
	[tilespmem:$0x18200] =	vst v63  }
0x6c: {  	s15 =	simm.s32 $0xB200  }
0x6d: {  	[tilespmem:s15], [sflag:$0x2] =	stream.indirect_vreg.gather [hbm4b:s8+s4], $0x80, v3, vm0, $0xb8;
	[tilespmem:$0x18200] =	vst v63  }
0x6e: {  	s16 =	simm.s32 $0xBA00  }
0x6f: {  	[tilespmem:s16], [sflag:$0x2] =	stream.indirect_vreg.gather [hbm4b:s9+s4], $0x80, v3, vm0, $0xb8;
	[tilespmem:$0x18200] =	vst v63  }
0x70: {  	v3 =	vld [tilespmem:$0x40];
	_ =	sdelay $0x4  }
0x71: {  	v60 =	vshrl.u32 v3, $0x3  }
0x72: {  	v4 =	vmul.u32 $0x30, v60  }
0x73: {  	v3 =	vand.u32 $0x7, v3  }
0x74: {  	v3 =	vor.u32 v3, v4  }
0x75: {  	v4 =	vperm.xlane v3, v0;
	_ =	sdelay $0x1  }
0x76: {  	v4 =	vadd.s32 v1, v4;
	_ =	sdelay $0x3  }
0x77: {  	v3 =	vperm.xlane v3, v2  }
0x78: {  	[tilespmem:s7], [sflag:$0x3] =	stream.indirect_vreg.gather [hbm4b:s2+s4], $0x80, v4, vm0, $0xb8;
	[tilespmem:$0x18200] =	vst v63  }
0x79: {  	s17 =	simm.s32 $0xCA00;
	v3 =	vadd.s32 v1, v3  }
0x7a: {  	[tilespmem:s17], [sflag:$0x3] =	stream.indirect_vreg.gather [hbm4b:s8+s4], $0x80, v4, vm0, $0xb8;
	[tilespmem:$0x18200] =	vst v63  }
0x7b: {  	s18 =	simm.s32 $0xD200  }
0x7c: {  	[tilespmem:s18], [sflag:$0x3] =	stream.indirect_vreg.gather [hbm4b:s9+s4], $0x80, v4, vm0, $0xb8;
	[tilespmem:$0x18200] =	vst v63  }
0x7d: {  	s19 =	simm.s32 $0xDA00  }
0x7e: {  	[tilespmem:s19], [sflag:$0x3] =	stream.indirect_vreg.gather [hbm4b:s2+s4], $0x80, v3, vm0, $0xb8;
	[tilespmem:$0x18200] =	vst v63  }
0x7f: {  	s20 =	simm.s32 $0xE200  }
0x80: {  	[tilespmem:s20], [sflag:$0x3] =	stream.indirect_vreg.gather [hbm4b:s8+s4], $0x80, v3, vm0, $0xb8;
	[tilespmem:$0x18200] =	vst v63  }
0x81: {  	s30 =	simm.s32 $0xEA00  }
0x82: {  	[tilespmem:s30], [sflag:$0x3] =	stream.indirect_vreg.gather [hbm4b:s9+s4], $0x80, v3, vm0, $0xb8;
	[tilespmem:$0x18200] =	vst v63  }
0x83: {  	v3 =	vld [tilespmem:$0x50];
	_ =	sdelay $0x4  }
0x84: {  	v61 =	vshrl.u32 v3, $0x3  }
0x85: {  	v4 =	vmul.u32 $0x30, v61  }
0x86: {  	v3 =	vand.u32 $0x7, v3  }
0x87: {  	v3 =	vor.u32 v3, v4  }
0x88: {  	v4 =	vperm.xlane v3, v0;
	_ =	sdelay $0x1  }
0x89: {  	v4 =	vadd.s32 v1, v4;
	_ =	sdelay $0x3  }
0x8a: {  	s5 =	simm.s32 $0xF200;
	v3 =	vperm.xlane v3, v2  }
0x8b: {  	[tilespmem:s5], [sflag:$0x3] =	stream.indirect_vreg.gather [hbm4b:s2+s4], $0x80, v4, vm0, $0xb8;
	[tilespmem:$0x18200] =	vst v63  }
0x8c: {  	s7 =	simm.s32 $0xFA00;
	v3 =	vadd.s32 v1, v3  }
0x8d: {  	[tilespmem:s7], [sflag:$0x3] =	stream.indirect_vreg.gather [hbm4b:s8+s4], $0x80, v4, vm0, $0xb8;
	[tilespmem:$0x18200] =	vst v63  }
0x8e: {  	s10 =	simm.s32 $0x10200  }
0x8f: {  	[tilespmem:s10], [sflag:$0x3] =	stream.indirect_vreg.gather [hbm4b:s9+s4], $0x80, v4, vm0, $0xb8;
	[tilespmem:$0x18200] =	vst v63  }
0x90: {  	s11 =	simm.s32 $0x10A00  }
0x91: {  	[tilespmem:s11], [sflag:$0x3] =	stream.indirect_vreg.gather [hbm4b:s2+s4], $0x80, v3, vm0, $0xb8;
	[tilespmem:$0x18200] =	vst v63  }
0x92: {  	s12 =	simm.s32 $0x11200  }
0x93: {  	[tilespmem:s12], [sflag:$0x3] =	stream.indirect_vreg.gather [hbm4b:s8+s4], $0x80, v3, vm0, $0xb8;
	[tilespmem:$0x18200] =	vst v63  }
0x94: {  	s13 =	simm.s32 $0x11A00  }
0x95: {  	[tilespmem:s13], [sflag:$0x3] =	stream.indirect_vreg.gather [hbm4b:s9+s4], $0x80, v3, vm0, $0xb8;
	[tilespmem:$0x18200] =	vst v63  }
0x96: {  	v3 =	vld [tilespmem:$0x60];
	_ =	sdelay $0x4  }
0x97: {  	v62 =	vshrl.u32 v3, $0x3  }
0x98: {  	v4 =	vmul.u32 $0x30, v62  }
0x99: {  	v3 =	vand.u32 $0x7, v3  }
0x9a: {  	v3 =	vor.u32 v3, v4  }
0x9b: {  	v4 =	vperm.xlane v3, v0;
	_ =	sdelay $0x1  }
0x9c: {  	v4 =	vadd.s32 v1, v4;
	_ =	sdelay $0x3  }
0x9d: {  	v3 =	vperm.xlane v3, v2  }
0x9e: {  	[tilespmem:s1], [sflag:$0x4] =	stream.indirect_vreg.gather [hbm4b:s2+s4], $0x80, v4, vm0, $0xb8;
	[tilespmem:$0x18200] =	vst v63  }
0x9f: {  	s14 =	simm.s32 $0x12A00;
	v3 =	vadd.s32 v1, v3  }
0xa0: {  	[tilespmem:s14], [sflag:$0x4] =	stream.indirect_vreg.gather [hbm4b:s8+s4], $0x80, v4, vm0, $0xb8;
	[tilespmem:$0x18200] =	vst v63  }
0xa1: {  	s15 =	simm.s32 $0x13200  }
0xa2: {  	[tilespmem:s15], [sflag:$0x4] =	stream.indirect_vreg.gather [hbm4b:s9+s4], $0x80, v4, vm0, $0xb8;
	[tilespmem:$0x18200] =	vst v63  }
0xa3: {  	s16 =	simm.s32 $0x13A00  }
0xa4: {  	[tilespmem:s16], [sflag:$0x4] =	stream.indirect_vreg.gather [hbm4b:s2+s4], $0x80, v3, vm0, $0xb8;
	[tilespmem:$0x18200] =	vst v63  }
0xa5: {  	s17 =	simm.s32 $0x14200  }
0xa6: {  	[tilespmem:s17], [sflag:$0x4] =	stream.indirect_vreg.gather [hbm4b:s8+s4], $0x80, v3, vm0, $0xb8;
	[tilespmem:$0x18200] =	vst v63  }
0xa7: {  	s18 =	simm.s32 $0x14A00  }
0xa8: {  	[tilespmem:s18], [sflag:$0x4] =	stream.indirect_vreg.gather [hbm4b:s9+s4], $0x80, v3, vm0, $0xb8;
	[tilespmem:$0x18200] =	vst v63  }
0xa9: {  	v3 =	vld [tilespmem:$0x70];
	_ =	sdelay $0x4  }
0xaa: {  	v63 =	vshrl.u32 v3, $0x3  }
0xab: {  	v4 =	vmul.u32 $0x30, v63  }
0xac: {  	v3 =	vand.u32 $0x7, v3  }
0xad: {  	v3 =	vor.u32 v3, v4  }
0xae: {  	v4 =	vperm.xlane v3, v0;
	_ =	sdelay $0x1  }
0xaf: {  	v4 =	vadd.s32 v1, v4;
	_ =	sdelay $0x3  }
0xb0: {  	s19 =	simm.s32 $0x15200;
	v3 =	vperm.xlane v3, v2  }
0xb1: {  	[tilespmem:s19], [sflag:$0x4] =	stream.indirect_vreg.gather [hbm4b:s2+s4], $0x80, v4, vm0, $0xb8;
	[tilespmem:$0x18200] =	vst v63  }
0xb2: {  	s20 =	simm.s32 $0x15A00;
	v3 =	vadd.s32 v1, v3  }
0xb3: {  	[tilespmem:s20], [sflag:$0x4] =	stream.indirect_vreg.gather [hbm4b:s8+s4], $0x80, v4, vm0, $0xb8;
	[tilespmem:$0x18200] =	vst v63  }
0xb4: {  	s31 =	simm.s32 $0x0;
	s29 =	simm.s32 $0xF0;
	s30 =	simm.s32 $0x16200  }
0xb5: {  	[tilespmem:s30], [sflag:$0x4] =	stream.indirect_vreg.gather [hbm4b:s9+s4], $0x80, v4, vm0, $0xb8;
	[tilespmem:$0x18200] =	vst v63  }
0xb6: {  	s5 =	simm.s32 $0x5200;
	s10 =	simm.s32 $0x5A00;
	s14 =	simm.s32 $0x16A00  }
0xb7: {  	[tilespmem:s14], [sflag:$0x4] =	stream.indirect_vreg.gather [hbm4b:s2+s4], $0x80, v3, vm0, $0xb8;
	[tilespmem:$0x18200] =	vst v63  }
0xb8: {  	s11 =	simm.s32 $0x6A00;
	s12 =	simm.s32 $0x7200;
	s17 =	simm.s32 $0x17200  }
0xb9: {  	[tilespmem:s17], [sflag:$0x4] =	stream.indirect_vreg.gather [hbm4b:s8+s4], $0x80, v3, vm0, $0xb8;
	[tilespmem:$0x18200] =	vst v63  }
0xba: {  	s16 =	rddreg [dreg:$0xa];
	s19 =	simm.s32 $0x17A00;
	s20 =	simm.s32 $0x4A00  }
0xbb: {  	[tilespmem:s19], [sflag:$0x4] =	stream.indirect_vreg.gather [hbm4b:s9+s4], $0x80, v3, vm0, $0xb8;
	[tilespmem:$0x18200] =	vst v63  }
.LBB2_2:
0xbc: {  	_ =	swait.ge [sflag:s6], $0x6000;
	s0 =	sadd.s32 s31, s16  }
0xbd: {  	[sflag:s6] =	ssyncset.done $0x0;
	s15 =	sshrl.u32 s0, $0x3  }
0xbe: {  	s18 =	simm.s32 $0x200;
	[sflag:s6] =	ssyncadd.s32 $0xFFFFA000;
	s15 =	sadd.s32 s3, s15  }
0xbf: {  	[hbm4b:s15+s4] =	stream.linear.scatter [tilespmem:s18], [sflag:$0x5], $0x6000, $0x38;
	[tilespmem:$0x18200] =	vst v63  }
0xc0: {  	_ =	swait.ge [sflag:s21], $0x6000  }
0xc1: {  	[sflag:s21] =	ssyncset.done $0x0  }
0xc2: {  	[sflag:s21] =	ssyncadd.s32 $0xFFFFA000  }
0xc3: {  	v3 =	vld [tilespmem:s29+$0xFFFFFF90];
	_ =	sdelay $0x4  }
0xc4: {  	v4 =	vshrl.u32 v3, $0x3  }
0xc5: {  	v4 =	vmul.u32 $0x30, v4  }
0xc6: {  	v3 =	vand.u32 $0x7, v3  }
0xc7: {  	v3 =	vor.u32 v3, v4  }
0xc8: {  	v4 =	vperm.xlane v3, v0;
	_ =	sdelay $0x1  }
0xc9: {  	v4 =	vadd.s32 v1, v4;
	_ =	sdelay $0x3  }
0xca: {  	v3 =	vperm.xlane v3, v2  }
0xcb: {  	[tilespmem:s18], [sflag:$0x1] =	stream.indirect_vreg.gather [hbm4b:s2+s4], $0x80, v4, vm0, $0xb8;
	[tilespmem:$0x18200] =	vst v63  }
0xcc: {  	s7 =	simm.s32 $0xA00;
	v3 =	vadd.s32 v1, v3  }
0xcd: {  	[tilespmem:s7], [sflag:$0x1] =	stream.indirect_vreg.gather [hbm4b:s8+s4], $0x80, v4, vm0, $0xb8;
	[tilespmem:$0x18200] =	vst v63  }
0xce: {  	s18 =	simm.s32 $0x1200  }
0xcf: {  	[tilespmem:s18], [sflag:$0x1] =	stream.indirect_vreg.gather [hbm4b:s9+s4], $0x80, v4, vm0, $0xb8;
	[tilespmem:$0x18200] =	vst v63  }
0xd0: {  	s13 =	simm.s32 $0x1A00  }
0xd1: {  	[tilespmem:s13], [sflag:$0x1] =	stream.indirect_vreg.gather [hbm4b:s2+s4], $0x80, v3, vm0, $0xb8;
	[tilespmem:$0x18200] =	vst v63  }
0xd2: {  	s15 =	simm.s32 $0x2200  }
0xd3: {  	[tilespmem:s15], [sflag:$0x1] =	stream.indirect_vreg.gather [hbm4b:s8+s4], $0x80, v3, vm0, $0xb8;
	[tilespmem:$0x18200] =	vst v63  }
0xd4: {  	s18 =	simm.s32 $0x2A00  }
0xd5: {  	[tilespmem:s18], [sflag:$0x1] =	stream.indirect_vreg.gather [hbm4b:s9+s4], $0x80, v3, vm0, $0xb8;
	[tilespmem:$0x18200] =	vst v63  }
0xd6: {  	v3 =	vld [tilespmem:s29+$0xFFFFFFA0];
	_ =	sdelay $0x4  }
0xd7: {  	v57 =	vshrl.u32 v3, $0x3  }
0xd8: {  	v4 =	vmul.u32 $0x30, v57  }
0xd9: {  	v3 =	vand.u32 $0x7, v3  }
0xda: {  	v3 =	vor.u32 v3, v4  }
0xdb: {  	v4 =	vperm.xlane v3, v0;
	_ =	sdelay $0x1  }
0xdc: {  	v4 =	vadd.s32 v1, v4;
	_ =	sdelay $0x3  }
0xdd: {  	s13 =	simm.s32 $0x3200;
	v3 =	vperm.xlane v3, v2  }
0xde: {  	[tilespmem:s13], [sflag:$0x1] =	stream.indirect_vreg.gather [hbm4b:s2+s4], $0x80, v4, vm0, $0xb8;
	[tilespmem:$0x18200] =	vst v63  }
0xdf: {  	s15 =	simm.s32 $0x3A00;
	v3 =	vadd.s32 v1, v3  }
0xe0: {  	[tilespmem:s15], [sflag:$0x1] =	stream.indirect_vreg.gather [hbm4b:s8+s4], $0x80, v4, vm0, $0xb8;
	[tilespmem:$0x18200] =	vst v63  }
0xe1: {  	s18 =	simm.s32 $0x4200  }
0xe2: {  	[tilespmem:s18], [sflag:$0x1] =	stream.indirect_vreg.gather [hbm4b:s9+s4], $0x80, v4, vm0, $0xb8;
	[tilespmem:$0x18200] =	vst v63  }
0xe3: {  	_ = 	snop  }
0xe4: {  	[tilespmem:s20], [sflag:$0x1] =	stream.indirect_vreg.gather [hbm4b:s2+s4], $0x80, v3, vm0, $0xb8;
	[tilespmem:$0x18200] =	vst v63  }
0xe5: {  	_ = 	snop  }
0xe6: {  	[tilespmem:s5], [sflag:$0x1] =	stream.indirect_vreg.gather [hbm4b:s8+s4], $0x80, v3, vm0, $0xb8;
	[tilespmem:$0x18200] =	vst v63  }
0xe7: {  	_ = 	snop  }
0xe8: {  	[tilespmem:s10], [sflag:$0x1] =	stream.indirect_vreg.gather [hbm4b:s9+s4], $0x80, v3, vm0, $0xb8;
	[tilespmem:$0x18200] =	vst v63  }
0xe9: {  	s7 =	sadd.s32 $0x6000, s0;
	_ =	swait.ge [sflag:s22], $0x6000  }
0xea: {  	s15 =	sshrl.u32 s7, $0x3;
	[sflag:s22] =	ssyncset.done $0x0  }
0xeb: {  	s13 =	simm.s32 $0x6200;
	s15 =	sadd.s32 s3, s15;
	[sflag:s22] =	ssyncadd.s32 $0xFFFFA000  }
0xec: {  	[hbm4b:s15+s4] =	stream.linear.scatter [tilespmem:s13], [sflag:$0x6], $0x6000, $0x38;
	[tilespmem:$0x18200] =	vst v63  }
0xed: {  	_ =	swait.ge [sflag:s23], $0x6000  }
0xee: {  	[sflag:s23] =	ssyncset.done $0x0  }
0xef: {  	[sflag:s23] =	ssyncadd.s32 $0xFFFFA000  }
0xf0: {  	v3 =	vld [tilespmem:s29+$0xFFFFFFB0];
	_ =	sdelay $0x4  }
0xf1: {  	v58 =	vshrl.u32 v3, $0x3  }
0xf2: {  	v4 =	vmul.u32 $0x30, v58  }
0xf3: {  	v3 =	vand.u32 $0x7, v3  }
0xf4: {  	v3 =	vor.u32 v3, v4  }
0xf5: {  	v4 =	vperm.xlane v3, v0;
	_ =	sdelay $0x1  }
0xf6: {  	v4 =	vadd.s32 v1, v4;
	_ =	sdelay $0x3  }
0xf7: {  	v3 =	vperm.xlane v3, v2  }
0xf8: {  	[tilespmem:s13], [sflag:$0x2] =	stream.indirect_vreg.gather [hbm4b:s2+s4], $0x80, v4, vm0, $0xb8;
	[tilespmem:$0x18200] =	vst v63  }
0xf9: {  	v3 =	vadd.s32 v1, v3  }
0xfa: {  	[tilespmem:s11], [sflag:$0x2] =	stream.indirect_vreg.gather [hbm4b:s8+s4], $0x80, v4, vm0, $0xb8;
	[tilespmem:$0x18200] =	vst v63  }
0xfb: {  	_ = 	snop  }
0xfc: {  	[tilespmem:s12], [sflag:$0x2] =	stream.indirect_vreg.gather [hbm4b:s9+s4], $0x80, v4, vm0, $0xb8;
	[tilespmem:$0x18200] =	vst v63  }
0xfd: {  	s15 =	simm.s32 $0x7A00  }
0xfe: {  	[tilespmem:s15], [sflag:$0x2] =	stream.indirect_vreg.gather [hbm4b:s2+s4], $0x80, v3, vm0, $0xb8;
	[tilespmem:$0x18200] =	vst v63  }
0xff: {  	s13 =	simm.s32 $0x8200  }
0x100: {  	[tilespmem:s13], [sflag:$0x2] =	stream.indirect_vreg.gather [hbm4b:s8+s4], $0x80, v3, vm0, $0xb8;
	[tilespmem:$0x18200] =	vst v63  }
0x101: {  	s15 =	simm.s32 $0x8A00  }
0x102: {  	[tilespmem:s15], [sflag:$0x2] =	stream.indirect_vreg.gather [hbm4b:s9+s4], $0x80, v3, vm0, $0xb8;
	[tilespmem:$0x18200] =	vst v63  }
0x103: {  	v3 =	vld [tilespmem:s29+$0xFFFFFFC0];
	_ =	sdelay $0x4  }
0x104: {  	v59 =	vshrl.u32 v3, $0x3  }
0x105: {  	v4 =	vmul.u32 $0x30, v59  }
0x106: {  	v3 =	vand.u32 $0x7, v3  }
0x107: {  	v3 =	vor.u32 v3, v4  }
0x108: {  	v4 =	vperm.xlane v3, v0;
	_ =	sdelay $0x1  }
0x109: {  	v4 =	vadd.s32 v1, v4;
	_ =	sdelay $0x3  }
0x10a: {  	s13 =	simm.s32 $0x9200;
	v3 =	vperm.xlane v3, v2  }
0x10b: {  	[tilespmem:s13], [sflag:$0x2] =	stream.indirect_vreg.gather [hbm4b:s2+s4], $0x80, v4, vm0, $0xb8;
	[tilespmem:$0x18200] =	vst v63  }
0x10c: {  	s15 =	simm.s32 $0x9A00;
	v3 =	vadd.s32 v1, v3  }
0x10d: {  	[tilespmem:s15], [sflag:$0x2] =	stream.indirect_vreg.gather [hbm4b:s8+s4], $0x80, v4, vm0, $0xb8;
	[tilespmem:$0x18200] =	vst v63  }
0x10e: {  	s13 =	simm.s32 $0xA200  }
0x10f: {  	[tilespmem:s13], [sflag:$0x2] =	stream.indirect_vreg.gather [hbm4b:s9+s4], $0x80, v4, vm0, $0xb8;
	[tilespmem:$0x18200] =	vst v63  }
0x110: {  	s15 =	simm.s32 $0xAA00  }
0x111: {  	[tilespmem:s15], [sflag:$0x2] =	stream.indirect_vreg.gather [hbm4b:s2+s4], $0x80, v3, vm0, $0xb8;
	[tilespmem:$0x18200] =	vst v63  }
0x112: {  	s13 =	simm.s32 $0xB200  }
0x113: {  	[tilespmem:s13], [sflag:$0x2] =	stream.indirect_vreg.gather [hbm4b:s8+s4], $0x80, v3, vm0, $0xb8;
	[tilespmem:$0x18200] =	vst v63  }
0x114: {  	s15 =	simm.s32 $0xBA00  }
0x115: {  	[tilespmem:s15], [sflag:$0x2] =	stream.indirect_vreg.gather [hbm4b:s9+s4], $0x80, v3, vm0, $0xb8;
	[tilespmem:$0x18200] =	vst v63  }
0x116: {  	s13 =	sadd.s32 $0xC000, s0;
	_ =	swait.ge [sflag:s24], $0x6000  }
0x117: {  	s15 =	sshrl.u32 s13, $0x3;
	[sflag:s24] =	ssyncset.done $0x0  }
0x118: {  	s13 =	simm.s32 $0xC200;
	s15 =	sadd.s32 s3, s15;
	[sflag:s24] =	ssyncadd.s32 $0xFFFFA000  }
0x119: {  	[hbm4b:s15+s4] =	stream.linear.scatter [tilespmem:s13], [sflag:$0x7], $0x6000, $0x38;
	[tilespmem:$0x18200] =	vst v63  }
0x11a: {  	_ =	swait.ge [sflag:s25], $0x6000  }
0x11b: {  	[sflag:s25] =	ssyncset.done $0x0  }
0x11c: {  	[sflag:s25] =	ssyncadd.s32 $0xFFFFA000  }
0x11d: {  	v3 =	vld [tilespmem:s29+$0xFFFFFFD0];
	_ =	sdelay $0x4  }
0x11e: {  	v60 =	vshrl.u32 v3, $0x3  }
0x11f: {  	v4 =	vmul.u32 $0x30, v60  }
0x120: {  	v3 =	vand.u32 $0x7, v3  }
0x121: {  	v3 =	vor.u32 v3, v4  }
0x122: {  	v4 =	vperm.xlane v3, v0;
	_ =	sdelay $0x1  }
0x123: {  	v4 =	vadd.s32 v1, v4;
	_ =	sdelay $0x3  }
0x124: {  	v3 =	vperm.xlane v3, v2  }
0x125: {  	[tilespmem:s13], [sflag:$0x3] =	stream.indirect_vreg.gather [hbm4b:s2+s4], $0x80, v4, vm0, $0xb8;
	[tilespmem:$0x18200] =	vst v63  }
0x126: {  	s15 =	simm.s32 $0xCA00;
	v3 =	vadd.s32 v1, v3  }
0x127: {  	[tilespmem:s15], [sflag:$0x3] =	stream.indirect_vreg.gather [hbm4b:s8+s4], $0x80, v4, vm0, $0xb8;
	[tilespmem:$0x18200] =	vst v63  }
0x128: {  	s15 =	simm.s32 $0xD200  }
0x129: {  	[tilespmem:s15], [sflag:$0x3] =	stream.indirect_vreg.gather [hbm4b:s9+s4], $0x80, v4, vm0, $0xb8;
	[tilespmem:$0x18200] =	vst v63  }
0x12a: {  	s15 =	simm.s32 $0xDA00  }
0x12b: {  	[tilespmem:s15], [sflag:$0x3] =	stream.indirect_vreg.gather [hbm4b:s2+s4], $0x80, v3, vm0, $0xb8;
	[tilespmem:$0x18200] =	vst v63  }
0x12c: {  	s15 =	simm.s32 $0xE200  }
0x12d: {  	[tilespmem:s15], [sflag:$0x3] =	stream.indirect_vreg.gather [hbm4b:s8+s4], $0x80, v3, vm0, $0xb8;
	[tilespmem:$0x18200] =	vst v63  }
0x12e: {  	s15 =	simm.s32 $0xEA00  }
0x12f: {  	[tilespmem:s15], [sflag:$0x3] =	stream.indirect_vreg.gather [hbm4b:s9+s4], $0x80, v3, vm0, $0xb8;
	[tilespmem:$0x18200] =	vst v63  }
0x130: {  	v3 =	vld [tilespmem:s29+$0xFFFFFFE0];
	_ =	sdelay $0x4  }
0x131: {  	v61 =	vshrl.u32 v3, $0x3  }
0x132: {  	v4 =	vmul.u32 $0x30, v61  }
0x133: {  	v3 =	vand.u32 $0x7, v3  }
0x134: {  	v3 =	vor.u32 v3, v4  }
0x135: {  	v4 =	vperm.xlane v3, v0;
	_ =	sdelay $0x1  }
0x136: {  	v4 =	vadd.s32 v1, v4;
	_ =	sdelay $0x3  }
0x137: {  	s15 =	simm.s32 $0xF200;
	v3 =	vperm.xlane v3, v2  }
0x138: {  	[tilespmem:s15], [sflag:$0x3] =	stream.indirect_vreg.gather [hbm4b:s2+s4], $0x80, v4, vm0, $0xb8;
	[tilespmem:$0x18200] =	vst v63  }
0x139: {  	v3 =	vadd.s32 v1, v3;
	s15 =	simm.s32 $0xFA00  }
0x13a: {  	[tilespmem:s15], [sflag:$0x3] =	stream.indirect_vreg.gather [hbm4b:s8+s4], $0x80, v4, vm0, $0xb8;
	[tilespmem:$0x18200] =	vst v63  }
0x13b: {  	s15 =	simm.s32 $0x10200  }
0x13c: {  	[tilespmem:s15], [sflag:$0x3] =	stream.indirect_vreg.gather [hbm4b:s9+s4], $0x80, v4, vm0, $0xb8;
	[tilespmem:$0x18200] =	vst v63  }
0x13d: {  	s15 =	simm.s32 $0x10A00  }
0x13e: {  	[tilespmem:s15], [sflag:$0x3] =	stream.indirect_vreg.gather [hbm4b:s2+s4], $0x80, v3, vm0, $0xb8;
	[tilespmem:$0x18200] =	vst v63  }
0x13f: {  	s15 =	simm.s32 $0x11200  }
0x140: {  	[tilespmem:s15], [sflag:$0x3] =	stream.indirect_vreg.gather [hbm4b:s8+s4], $0x80, v3, vm0, $0xb8;
	[tilespmem:$0x18200] =	vst v63  }
0x141: {  	s15 =	simm.s32 $0x11A00  }
0x142: {  	[tilespmem:s15], [sflag:$0x3] =	stream.indirect_vreg.gather [hbm4b:s9+s4], $0x80, v3, vm0, $0xb8;
	[tilespmem:$0x18200] =	vst v63  }
0x143: {  	s0 =	sadd.s32 $0x12000, s0;
	_ =	swait.ge [sflag:s26], $0x6000  }
0x144: {  	s0 =	sshrl.u32 s0, $0x3;
	[sflag:s26] =	ssyncset.done $0x0  }
0x145: {  	s0 =	sadd.s32 s3, s0;
	[sflag:s26] =	ssyncadd.s32 $0xFFFFA000  }
0x146: {  	[hbm4b:s0+s4] =	stream.linear.scatter [tilespmem:s1], [sflag:$0x8], $0x6000, $0x38;
	[tilespmem:$0x18200] =	vst v63  }
0x147: {  	_ =	swait.ge [sflag:s28], $0x6000  }
0x148: {  	[sflag:s28] =	ssyncset.done $0x0  }
0x149: {  	[sflag:s28] =	ssyncadd.s32 $0xFFFFA000  }
0x14a: {  	v3 =	vld [tilespmem:s29+$0xFFFFFFF0];
	_ =	sdelay $0x4  }
0x14b: {  	v62 =	vshrl.u32 v3, $0x3  }
0x14c: {  	v4 =	vmul.u32 $0x30, v62  }
0x14d: {  	v3 =	vand.u32 $0x7, v3  }
0x14e: {  	v3 =	vor.u32 v3, v4  }
0x14f: {  	v4 =	vperm.xlane v3, v0;
	_ =	sdelay $0x1  }
0x150: {  	v4 =	vadd.s32 v1, v4;
	_ =	sdelay $0x3  }
0x151: {  	v3 =	vperm.xlane v3, v2  }
0x152: {  	[tilespmem:s1], [sflag:$0x4] =	stream.indirect_vreg.gather [hbm4b:s2+s4], $0x80, v4, vm0, $0xb8;
	[tilespmem:$0x18200] =	vst v63  }
0x153: {  	s13 =	simm.s32 $0x12A00;
	v3 =	vadd.s32 v1, v3  }
0x154: {  	[tilespmem:s13], [sflag:$0x4] =	stream.indirect_vreg.gather [hbm4b:s8+s4], $0x80, v4, vm0, $0xb8;
	[tilespmem:$0x18200] =	vst v63  }
0x155: {  	s15 =	simm.s32 $0x13200  }
0x156: {  	[tilespmem:s15], [sflag:$0x4] =	stream.indirect_vreg.gather [hbm4b:s9+s4], $0x80, v4, vm0, $0xb8;
	[tilespmem:$0x18200] =	vst v63  }
0x157: {  	s13 =	simm.s32 $0x13A00  }
0x158: {  	[tilespmem:s13], [sflag:$0x4] =	stream.indirect_vreg.gather [hbm4b:s2+s4], $0x80, v3, vm0, $0xb8;
	[tilespmem:$0x18200] =	vst v63  }
0x159: {  	s15 =	simm.s32 $0x14200  }
0x15a: {  	[tilespmem:s15], [sflag:$0x4] =	stream.indirect_vreg.gather [hbm4b:s8+s4], $0x80, v3, vm0, $0xb8;
	[tilespmem:$0x18200] =	vst v63  }
0x15b: {  	s13 =	simm.s32 $0x14A00  }
0x15c: {  	[tilespmem:s13], [sflag:$0x4] =	stream.indirect_vreg.gather [hbm4b:s9+s4], $0x80, v3, vm0, $0xb8;
	[tilespmem:$0x18200] =	vst v63  }
0x15d: {  	v3 =	vld [tilespmem:s29+$0x0];
	_ =	sdelay $0x4  }
0x15e: {  	v63 =	vshrl.u32 v3, $0x3  }
0x15f: {  	v4 =	vmul.u32 $0x30, v63  }
0x160: {  	v3 =	vand.u32 $0x7, v3  }
0x161: {  	v3 =	vor.u32 v3, v4  }
0x162: {  	v4 =	vperm.xlane v3, v0;
	_ =	sdelay $0x1  }
0x163: {  	v4 =	vadd.s32 v1, v4;
	_ =	sdelay $0x3  }
0x164: {  	s15 =	simm.s32 $0x15200;
	v3 =	vperm.xlane v3, v2  }
0x165: {  	[tilespmem:s15], [sflag:$0x4] =	stream.indirect_vreg.gather [hbm4b:s2+s4], $0x80, v4, vm0, $0xb8;
	[tilespmem:$0x18200] =	vst v63  }
0x166: {  	s13 =	simm.s32 $0x15A00;
	v3 =	vadd.s32 v1, v3  }
0x167: {  	[tilespmem:s13], [sflag:$0x4] =	stream.indirect_vreg.gather [hbm4b:s8+s4], $0x80, v4, vm0, $0xb8;
	[tilespmem:$0x18200] =	vst v63  }
0x168: {  	s15 =	simm.s32 $0x16200  }
0x169: {  	[tilespmem:s15], [sflag:$0x4] =	stream.indirect_vreg.gather [hbm4b:s9+s4], $0x80, v4, vm0, $0xb8;
	[tilespmem:$0x18200] =	vst v63  }
0x16a: {  	p0 =	sne.s32 s31, $0x30000  }
0x16b: {  	[tilespmem:s14], [sflag:$0x4] =	stream.indirect_vreg.gather [hbm4b:s2+s4], $0x80, v3, vm0, $0xb8;
	[tilespmem:$0x18200] =	vst v63  }
.Ltmp0:
0x16c: {  	_ = 	snop;
	(pc) =	sbr.rel @p0 .LBB2_2-.Ltmp0, $4  }
0x16d: {  	s30 =	simm.s32 $0x200;
	s31 =	sadd.s32 $0x18000, s31  }
0x16e: {  	[tilespmem:s17], [sflag:$0x4] =	stream.indirect_vreg.gather [hbm4b:s8+s4], $0x80, v3, vm0, $0xb8;
	[tilespmem:$0x18200] =	vst v63  }
0x16f: {  	s7 =	simm.s32 $0xC200;
	s18 =	simm.s32 $0x6200;
	s29 =	sadd.s32 $0x80, s29  }
0x170: {  	[tilespmem:s19], [sflag:$0x4] =	stream.indirect_vreg.gather [hbm4b:s9+s4], $0x80, v3, vm0, $0xb8;
	[tilespmem:$0x18200] =	vst v63  }
0x171: {  	_ =	swait.ge [sflag:s6], $0x6000  }
0x172: {  	[sflag:s6] =	ssyncset.done $0x0  }
0x173: {  	s0 =	rddreg [dreg:$0x5];
	[sflag:s6] =	ssyncadd.s32 $0xFFFFA000  }
0x174: {  	[hbm4b:s0+s4] =	stream.linear.scatter [tilespmem:s30], [sflag:$0x5], $0x6000, $0x38;
	[tilespmem:$0x18200] =	vst v63  }
0x175: {  	_ =	swait.ge [sflag:s21], $0x6000  }
0x176: {  	[sflag:s21] =	ssyncset.done $0x0  }
0x177: {  	[sflag:s21] =	ssyncadd.s32 $0xFFFFA000  }
0x178: {  	_ =	swait.ge [sflag:s22], $0x6000  }
0x179: {  	[sflag:s22] =	ssyncset.done $0x0  }
0x17a: {  	s16 =	rddreg [dreg:$0x6];
	[sflag:s22] =	ssyncadd.s32 $0xFFFFA000  }
0x17b: {  	[hbm4b:s16+s4] =	stream.linear.scatter [tilespmem:s18], [sflag:$0x6], $0x6000, $0x38;
	[tilespmem:$0x18200] =	vst v63  }
0x17c: {  	_ =	swait.ge [sflag:s23], $0x6000  }
0x17d: {  	[sflag:s23] =	ssyncset.done $0x0  }
0x17e: {  	[sflag:s23] =	ssyncadd.s32 $0xFFFFA000  }
0x17f: {  	_ =	swait.ge [sflag:s24], $0x6000  }
0x180: {  	[sflag:s24] =	ssyncset.done $0x0  }
0x181: {  	s17 =	rddreg [dreg:$0x7];
	[sflag:s24] =	ssyncadd.s32 $0xFFFFA000  }
0x182: {  	[hbm4b:s17+s4] =	stream.linear.scatter [tilespmem:s7], [sflag:$0x7], $0x6000, $0x38;
	[tilespmem:$0x18200] =	vst v63  }
0x183: {  	_ =	swait.ge [sflag:s25], $0x6000  }
0x184: {  	[sflag:s25] =	ssyncset.done $0x0  }
0x185: {  	[sflag:s25] =	ssyncadd.s32 $0xFFFFA000  }
0x186: {  	_ =	swait.ge [sflag:s26], $0x6000  }
0x187: {  	[sflag:s26] =	ssyncset.done $0x0  }
0x188: {  	s19 =	rddreg [dreg:$0x8];
	[sflag:s26] =	ssyncadd.s32 $0xFFFFA000  }
0x189: {  	[hbm4b:s19+s4] =	stream.linear.scatter [tilespmem:s1], [sflag:$0x8], $0x6000, $0x38;
	[tilespmem:$0x18200] =	vst v63  }
0x18a: {  	_ =	swait.ge [sflag:s28], $0x6000  }
0x18b: {  	s15 =	rddreg [dreg:$0xb]  }
0x18c: {  	s20 =	rddreg [dreg:$0x9];
	s15 =	sadd.s32 $0x1, s15  }
0x18d: {  	p0 =	sne.s32 s15, s20  }
.Ltmp1:
0x18e: {  	s31 =	simm.s32 $0xA00;
	s10 =	simm.s32 $0x1200;
	(pc) =	sbr.rel @p0 .LBB2_1-.Ltmp1, $4  }
0x18f: {  	s11 =	simm.s32 $0x1A00;
	s12 =	simm.s32 $0x2200;
	s13 =	simm.s32 $0x2A00  }
0x190: {  	s14 =	simm.s32 $0x3200;
	s5 =	simm.s32 $0x5200;
	s29 =	simm.s32 $0x5A00  }
0x191: {  	s30 =	simm.s32 $0x6A00;
	s17 =	simm.s32 $0x3A00;
	[sflag:s28] =	ssyncset.done $0x0  }
0x192: {  	s19 =	simm.s32 $0x4200;
	[sflag:s28] =	ssyncadd.s32 $0xFFFFA000;
	s20 =	simm.s32 $0x4A00  }
0x193: {  	_ =	sfence.sel $0x180000  }
0x194: {  	[bflag:$0x0] =	sbarrier.arrive $0xFFFF  }
0x195: {  	_ =	strace $0x90000047  }
0x196: {  	s0 =	stileid.u32;
	[bflag:$0x2] =	sbarrier.arrive $0xFFFF  }
0x197: {  	p0 =	sne.s32 s0, $0x0;
	s0 =	rddreg [dreg:$0x3]  }
0x198: {  	s0 =	sadd.s32 @!p0 $0x100000, s0  }
0x199: {  	[sflag:s0] =	ssyncadd.tile.s32 @!p0 $0x1;
	_ =	shalt  }
.Lfunc_end2:
_tile_overlayer_lowered:
.L_overlay_start_2:
0x19a: {  	(tag) =	ssettag $0x2  }
0x19b: {  	s0 =	rddreg [dreg:$0x0];
	s2 =	stileid.u32  }
0x19c: {  	s1 =	rddreg [dreg:$0x1];
	p0 =	sne.s32 s2, $0x0  }
0x19d: {  	s3 =	rddreg [dreg:$0x2];
	[bflag:$0x3] =	sbarrier.arrive $0xFFFF;
	s2 =	simm.s32 @!p0 $0x1C09  }
0x19e: {  	[timem:s3], [sflag:s2] =	dma.local @!p0 [hbm:s0], s1  }
0x19f: {  	s0 =	simm.s32 @!p0 $0x9  }
0x1a0: {  	_ =	swait.ge @!p0 [sflag:s0], s1  }
0x1a1: {  	s1 =	ssub.s32 @!p0 $0x0, s1;
	[sflag:s0] =	ssyncset.done @!p0 $0x0  }
0x1a2: {  	[sflag:s0] =	ssyncadd.s32 @!p0 s1  }
0x1a3: {  	[bflag:$0x3] =	sbarrier.arrive $0xFFFF  }
0x1a4: {  	_ =	shalt  }

</sc_bundles>
